<compile_context>
chip_gen: v7x
topology: tpu7x:2x2x1
jax: 0.10.2.dev20260603
libtpu: 0.0.44.dev20260713+nightly
codegen_flags: <defaults>
</compile_context>

<pallas_src>
import functools

import jax
import jax.numpy as jnp
from jax import lax
from jax.experimental import pallas as pl
from jax.experimental.pallas import tpu as pltpu
from jax.experimental.pallas import tpu_sc as plsc

VOCAB = 100000
EMBED = 64
OUT_DIM = 2
SEQ = 200
BATCH = 4096

NC = 2
NS = 16
NW = NC * NS
LANES = 16
BPT = BATCH // NW

VBLK = 20000
VGRID = VOCAB // VBLK


def _bf16_bits(p):
    u = lax.bitcast_convert_type(p, jnp.uint32)
    return (u + jnp.uint32(0x7FFF) + ((u >> 16) & jnp.uint32(1))) >> 16


def _fold_body(table_ref, wt_ref, b_ref, out_ref):
    t = table_ref[...]
    w = wt_ref[...]
    p = lax.dot_general(w, t, (((1,), (1,)), ((), ())),
                        preferred_element_type=jnp.float32)
    p0 = p[0:1, :] + b_ref[0]
    p1 = p[1:2, :] + b_ref[1]
    packed = _bf16_bits(p0) | (_bf16_bits(p1) << 16)
    out_ref[...] = lax.bitcast_convert_type(packed, jnp.int32).reshape(out_ref.shape)


def _fold_table(table, wt_pad, b):
    out = pl.pallas_call(
        _fold_body,
        grid=(VGRID,),
        in_specs=[
            pl.BlockSpec((VBLK, EMBED), lambda g: (g, 0)),
            pl.BlockSpec((8, EMBED), lambda g: (0, 0)),
            pl.BlockSpec(memory_space=pltpu.SMEM),
        ],
        out_specs=pl.BlockSpec((1, 1, VBLK), lambda g: (g, 0, 0)),
        out_shape=jax.ShapeDtypeStruct((VGRID, 1, VBLK), jnp.int32),
    )(table, wt_pad, b)
    return out.reshape(VOCAB)


def _sc_body(ptab_hbm, text_hbm, out_hbm, tab_v, idx_v, out_v, sem1, sem2):
    wid = lax.axis_index("s") * NC + lax.axis_index("c")
    base = wid * BPT
    cp1 = pltpu.async_copy(ptab_hbm, tab_v, sem1)
    cp2 = pltpu.async_copy(text_hbm.at[:, pl.ds(base, BPT)], idx_v, sem2)
    cp1.wait()
    cp2.wait()
    scale = jnp.float32(1.0 / SEQ)
    for bg in range(BPT // LANES):
        def body(s, acc, _bg=bg):
            a0, a1 = acc
            vocab = idx_v[s, pl.ds(_bg * LANES, LANES)]
            packed = plsc.load_gather(tab_v, [vocab])
            c0 = plsc.bitcast(packed << 16, jnp.float32)
            c1 = plsc.bitcast(packed & jnp.int32(-65536), jnp.float32)
            return (a0 + c0, a1 + c1)
        z = jnp.zeros((LANES,), jnp.float32)
        a0, a1 = lax.fori_loop(0, SEQ, body, (z, z), unroll=8)
        out_v[0, pl.ds(bg * LANES, LANES)] = a0 * scale
        out_v[1, pl.ds(bg * LANES, LANES)] = a1 * scale
    pltpu.sync_copy(out_v, out_hbm.at[:, pl.ds(base, BPT)])


@functools.lru_cache(maxsize=1)
def _sc_pool():
    return pl.kernel(
        _sc_body,
        out_type=jax.ShapeDtypeStruct((OUT_DIM, BATCH), jnp.float32),
        mesh=plsc.VectorSubcoreMesh(
            core_axis_name="c", subcore_axis_name="s", num_cores=NC, num_subcores=NS
        ),
        scratch_types=[
            pltpu.VMEM((VOCAB,), jnp.int32),
            pltpu.VMEM((SEQ, BPT), jnp.int32),
            pltpu.VMEM((OUT_DIM, BPT), jnp.float32),
            pltpu.SemaphoreType.DMA,
            pltpu.SemaphoreType.DMA,
        ],
        compiler_params=pltpu.CompilerParams(needs_layout_passes=False),
    )


def kernel(text, table, W, b):
    wt_pad = jnp.zeros((8, EMBED), jnp.float32).at[:OUT_DIM].set(W.T)
    ptab = _fold_table(table, wt_pad, b)
    return _sc_pool()(ptab, text).T

# --- scband reference (transcript-rebuilt; emitter-appended) ---
"""Pipeline reference for scband-fast-text-197568495970 (READ-ONLY COPY).

The authoritative reference and input builder live on the scoring server;
editing this copy changes nothing except your own understanding.
"""

import jax, jax.numpy as jnp
import numpy as np

VOCAB = 100000
EMBED_DIM = 64
OUTPUT_DIM = 2
SEQ_LEN = 200
BATCH = 4096
PADDING_IDX = 0
UNK_IDX = 1


def setup_inputs(seed: int = 0) -> dict:
    key = jax.random.key(seed)
    k1, k2, k3 = jax.random.split(key, 3)
    # text is [seq_len, batch] (module permutes (1,0,2) after embedding)
    text = jax.random.randint(k1, (SEQ_LEN, BATCH), 0, VOCAB, dtype=jnp.int64 if jax.config.read('jax_enable_x64') else jnp.int32)
    # Embedding table (learned parameter); padding_idx and unk_idx rows zeroed per __init__
    table = jax.random.normal(k2, (VOCAB, EMBED_DIM), dtype=jnp.float32)
    table = table.at[PADDING_IDX].set(0.0).at[UNK_IDX].set(0.0)
    # Linear layer params (self.label)
    W = jax.random.normal(k3, (EMBED_DIM, OUTPUT_DIM), dtype=jnp.float32) * 0.05
    b = jnp.zeros((OUTPUT_DIM,), dtype=jnp.float32)
    return {"text": text, "table": table, "W": W, "b": b}


def reference(text, table, W, b):
    # embedded = self.embeddings(text)  -> [seq_len, batch, embed_dim]
    embedded = jnp.take(table, text, axis=0)
    # embedded.permute(1, 0, 2) -> [batch, seq_len, embed_dim]
    embedded = jnp.transpose(embedded, (1, 0, 2))
    # F.avg_pool2d(embedded, (seq_len, 1)).squeeze(1) == mean over seq dim
    pooled = jnp.mean(embedded, axis=1)  # [batch, embed_dim]
    # self.label(pooled)
    return pooled @ W + b

if __name__ == "__main__":
    import jax
    _d = setup_inputs()
    print(jax.jit(kernel)(*tuple(_d.values())))

</pallas_src>

<mosaic_0001>
#map = affine_map<(d0, d1) -> (0)>
#map1 = affine_map<(d0, d1) -> (0, 0)>
module attributes {stable_mosaic.version = 14 : i64} {
  func.func @_sc_body(%arg0: i32, %arg1: i32, %arg2: memref<100000xi32, #tpu.memory_space<hbm>>, %arg3: memref<200x4096xi32, #tpu.memory_space<hbm>>, %arg4: memref<2x4096xf32, #tpu.memory_space<hbm>>, %arg5: memref<100000xi32, #tpu.memory_space<vmem>>, %arg6: memref<200x128xi32, #tpu.memory_space<vmem>>, %arg7: memref<2x128xf32, #tpu.memory_space<vmem>>, %arg8: memref<!tpu.dma_semaphore, #tpu.memory_space<semaphore_mem>>, %arg9: memref<!tpu.dma_semaphore, #tpu.memory_space<semaphore_mem>>) attributes {dimension_semantics = [#tpu.dimension_semantics<core_parallel>, #tpu.dimension_semantics<subcore_parallel>], iteration_bounds = array<i64: 2, 16>, scalar_prefetch = 0 : i64, scratch_operands = 5 : i64, tpu.core_type = #tpu.core_type<sc_vector_subcore>, window_params = [{transform_indices = #map}, {transform_indices = #map1}, {transform_indices = #map1}]} {
    %mul3A = arith.constant 2 : i32
    %mul3A_0 = arith.muli %arg1, %mul3A : i32
    %add3A = arith.addi %mul3A_0, %arg0 : i32
    %mul3A_1 = arith.constant 128 : i32
    %mul3A_2 = arith.muli %add3A, %mul3A_1 : i32
    tpu.enqueue_dma source(%arg2 : memref<100000xi32, #tpu.memory_space<hbm>>) target(%arg5 : memref<100000xi32, #tpu.memory_space<vmem>>) target_semaphore(%arg8 : memref<!tpu.dma_semaphore, #tpu.memory_space<semaphore_mem>>)
    %dma_start3A = arith.constant 0 : i32
    %dma_start3A_3 = tpu.memref_slice %arg3[%dma_start3A, %mul3A_2] : memref<200x4096xi32, #tpu.memory_space<hbm>> -> memref<200x128xi32, #tpu.memory_space<hbm>>
    %dma_start3A_4 = arith.constant 0 : i32
    %dma_start3A_5 = tpu.memref_slice %arg3[%dma_start3A_4, %mul3A_2] : memref<200x4096xi32, #tpu.memory_space<hbm>> -> memref<200x128xi32, #tpu.memory_space<hbm>>
    tpu.enqueue_dma source(%dma_start3A_5 : memref<200x128xi32, #tpu.memory_space<hbm>>) target(%arg6 : memref<200x128xi32, #tpu.memory_space<vmem>>) target_semaphore(%arg9 : memref<!tpu.dma_semaphore, #tpu.memory_space<semaphore_mem>>)
    tpu.wait_dma2 semaphore(%arg8 : memref<!tpu.dma_semaphore, #tpu.memory_space<semaphore_mem>>) src(%arg2 : memref<100000xi32, #tpu.memory_space<hbm>>) dst(%arg5 : memref<100000xi32, #tpu.memory_space<vmem>>)
    %dma_wait3A = arith.constant 0 : i32
    %dma_wait3A_6 = tpu.memref_slice %arg3[%dma_wait3A, %mul3A_2] : memref<200x4096xi32, #tpu.memory_space<hbm>> -> memref<200x128xi32, #tpu.memory_space<hbm>>
    %dma_wait3A_7 = arith.constant 0 : i32
    %dma_wait3A_8 = tpu.memref_slice %arg3[%dma_wait3A_7, %mul3A_2] : memref<200x4096xi32, #tpu.memory_space<hbm>> -> memref<200x128xi32, #tpu.memory_space<hbm>>
    tpu.wait_dma2 semaphore(%arg9 : memref<!tpu.dma_semaphore, #tpu.memory_space<semaphore_mem>>) src(%dma_wait3A_8 : memref<200x128xi32, #tpu.memory_space<hbm>>) dst(%arg6 : memref<200x128xi32, #tpu.memory_space<vmem>>)
    %broadcast_in_dim3A = arith.constant 0.000000e+00 : f32
    %broadcast_in_dim3A_9 = vector.broadcast %broadcast_in_dim3A : f32 to vector<16xf32>
    %scan3A = arith.constant 0 : i32
    %scan3A_10 = arith.constant 200 : i32
    %scan3A_11 = arith.addi %scan3A, %scan3A_10 : i32
    %scan3A_12 = arith.constant 8 : i32
    %scan3A_13:2 = scf.for %scan3A_182 = %scan3A to %scan3A_11 step %scan3A_12 iter_args(%scan3A_183 = %broadcast_in_dim3A_9, %scan3A_184 = %broadcast_in_dim3A_9) -> (vector<16xf32>, vector<16xf32>)  : i32 {
      %get3A = arith.index_cast %scan3A_182 : i32 to index
      %get3A_185 = arith.constant 0 : index
      %get3A_186 = tpu.vector_load %arg6[%get3A, %get3A_185] {strides = array<i32>} : memref<200x128xi32, #tpu.memory_space<vmem>>, vector<16xi32>,
      %gather3A = tpu.vector_load_idx %arg5[%get3A_186] : memref<100000xi32, #tpu.memory_space<vmem>>[vector<16xi32>], vector<16xi32>,
      %shift_left3A = arith.constant 16 : i32
      %shift_left3A_187 = vector.broadcast %shift_left3A : i32 to vector<16xi32>
      %shift_left3A_188 = arith.shli %gather3A, %shift_left3A_187 : vector<16xi32>
      %bitcast3A = vector.bitcast %shift_left3A_188 : vector<16xi32> to vector<16xf32>
      %and3A = arith.constant -65536 : i32
      %and3A_189 = vector.broadcast %and3A : i32 to vector<16xi32>
      %and3A_190 = arith.andi %gather3A, %and3A_189 : vector<16xi32>
      %bitcast3A_191 = vector.bitcast %and3A_190 : vector<16xi32> to vector<16xf32>
      %add3A_192 = arith.addf %scan3A_183, %bitcast3A : vector<16xf32>
      %add3A_193 = arith.addf %scan3A_184, %bitcast3A_191 : vector<16xf32>
      %scan3A_194 = arith.constant 1 : i32
      %scan3A_195 = arith.addi %scan3A_182, %scan3A_194 : i32
      %get3A_196 = arith.index_cast %scan3A_195 : i32 to index
      %get3A_197 = arith.constant 0 : index
      %get3A_198 = tpu.vector_load %arg6[%get3A_196, %get3A_197] {strides = array<i32>} : memref<200x128xi32, #tpu.memory_space<vmem>>, vector<16xi32>,
      %gather3A_199 = tpu.vector_load_idx %arg5[%get3A_198] : memref<100000xi32, #tpu.memory_space<vmem>>[vector<16xi32>], vector<16xi32>,
      %shift_left3A_200 = arith.constant 16 : i32
      %shift_left3A_201 = vector.broadcast %shift_left3A_200 : i32 to vector<16xi32>
      %shift_left3A_202 = arith.shli %gather3A_199, %shift_left3A_201 : vector<16xi32>
      %bitcast3A_203 = vector.bitcast %shift_left3A_202 : vector<16xi32> to vector<16xf32>
      %and3A_204 = arith.constant -65536 : i32
      %and3A_205 = vector.broadcast %and3A_204 : i32 to vector<16xi32>
      %and3A_206 = arith.andi %gather3A_199, %and3A_205 : vector<16xi32>
      %bitcast3A_207 = vector.bitcast %and3A_206 : vector<16xi32> to vector<16xf32>
      %add3A_208 = arith.addf %add3A_192, %bitcast3A_203 : vector<16xf32>
      %add3A_209 = arith.addf %add3A_193, %bitcast3A_207 : vector<16xf32>
      %scan3A_210 = arith.constant 2 : i32
      %scan3A_211 = arith.addi %scan3A_182, %scan3A_210 : i32
      %get3A_212 = arith.index_cast %scan3A_211 : i32 to index
      %get3A_213 = arith.constant 0 : index
      %get3A_214 = tpu.vector_load %arg6[%get3A_212, %get3A_213] {strides = array<i32>} : memref<200x128xi32, #tpu.memory_space<vmem>>, vector<16xi32>,
      %gather3A_215 = tpu.vector_load_idx %arg5[%get3A_214] : memref<100000xi32, #tpu.memory_space<vmem>>[vector<16xi32>], vector<16xi32>,
      %shift_left3A_216 = arith.constant 16 : i32
      %shift_left3A_217 = vector.broadcast %shift_left3A_216 : i32 to vector<16xi32>
      %shift_left3A_218 = arith.shli %gather3A_215, %shift_left3A_217 : vector<16xi32>
      %bitcast3A_219 = vector.bitcast %shift_left3A_218 : vector<16xi32> to vector<16xf32>
      %and3A_220 = arith.constant -65536 : i32
      %and3A_221 = vector.broadcast %and3A_220 : i32 to vector<16xi32>
      %and3A_222 = arith.andi %gather3A_215, %and3A_221 : vector<16xi32>
      %bitcast3A_223 = vector.bitcast %and3A_222 : vector<16xi32> to vector<16xf32>
      %add3A_224 = arith.addf %add3A_208, %bitcast3A_219 : vector<16xf32>
      %add3A_225 = arith.addf %add3A_209, %bitcast3A_223 : vector<16xf32>
      %scan3A_226 = arith.constant 3 : i32
      %scan3A_227 = arith.addi %scan3A_182, %scan3A_226 : i32
      %get3A_228 = arith.index_cast %scan3A_227 : i32 to index
      %get3A_229 = arith.constant 0 : index
      %get3A_230 = tpu.vector_load %arg6[%get3A_228, %get3A_229] {strides = array<i32>} : memref<200x128xi32, #tpu.memory_space<vmem>>, vector<16xi32>,
      %gather3A_231 = tpu.vector_load_idx %arg5[%get3A_230] : memref<100000xi32, #tpu.memory_space<vmem>>[vector<16xi32>], vector<16xi32>,
      %shift_left3A_232 = arith.constant 16 : i32
      %shift_left3A_233 = vector.broadcast %shift_left3A_232 : i32 to vector<16xi32>
      %shift_left3A_234 = arith.shli %gather3A_231, %shift_left3A_233 : vector<16xi32>
      %bitcast3A_235 = vector.bitcast %shift_left3A_234 : vector<16xi32> to vector<16xf32>
      %and3A_236 = arith.constant -65536 : i32
      %and3A_237 = vector.broadcast %and3A_236 : i32 to vector<16xi32>
      %and3A_238 = arith.andi %gather3A_231, %and3A_237 : vector<16xi32>
      %bitcast3A_239 = vector.bitcast %and3A_238 : vector<16xi32> to vector<16xf32>
      %add3A_240 = arith.addf %add3A_224, %bitcast3A_235 : vector<16xf32>
      %add3A_241 = arith.addf %add3A_225, %bitcast3A_239 : vector<16xf32>
      %scan3A_242 = arith.constant 4 : i32
      %scan3A_243 = arith.addi %scan3A_182, %scan3A_242 : i32
      %get3A_244 = arith.index_cast %scan3A_243 : i32 to index
      %get3A_245 = arith.constant 0 : index
      %get3A_246 = tpu.vector_load %arg6[%get3A_244, %get3A_245] {strides = array<i32>} : memref<200x128xi32, #tpu.memory_space<vmem>>, vector<16xi32>,
      %gather3A_247 = tpu.vector_load_idx %arg5[%get3A_246] : memref<100000xi32, #tpu.memory_space<vmem>>[vector<16xi32>], vector<16xi32>,
      %shift_left3A_248 = arith.constant 16 : i32
      %shift_left3A_249 = vector.broadcast %shift_left3A_248 : i32 to vector<16xi32>
      %shift_left3A_250 = arith.shli %gather3A_247, %shift_left3A_249 : vector<16xi32>
      %bitcast3A_251 = vector.bitcast %shift_left3A_250 : vector<16xi32> to vector<16xf32>
      %and3A_252 = arith.constant -65536 : i32
      %and3A_253 = vector.broadcast %and3A_252 : i32 to vector<16xi32>
      %and3A_254 = arith.andi %gather3A_247, %and3A_253 : vector<16xi32>
      %bitcast3A_255 = vector.bitcast %and3A_254 : vector<16xi32> to vector<16xf32>
      %add3A_256 = arith.addf %add3A_240, %bitcast3A_251 : vector<16xf32>
      %add3A_257 = arith.addf %add3A_241, %bitcast3A_255 : vector<16xf32>
      %scan3A_258 = arith.constant 5 : i32
      %scan3A_259 = arith.addi %scan3A_182, %scan3A_258 : i32
      %get3A_260 = arith.index_cast %scan3A_259 : i32 to index
      %get3A_261 = arith.constant 0 : index
      %get3A_262 = tpu.vector_load %arg6[%get3A_260, %get3A_261] {strides = array<i32>} : memref<200x128xi32, #tpu.memory_space<vmem>>, vector<16xi32>,
      %gather3A_263 = tpu.vector_load_idx %arg5[%get3A_262] : memref<100000xi32, #tpu.memory_space<vmem>>[vector<16xi32>], vector<16xi32>,
      %shift_left3A_264 = arith.constant 16 : i32
      %shift_left3A_265 = vector.broadcast %shift_left3A_264 : i32 to vector<16xi32>
      %shift_left3A_266 = arith.shli %gather3A_263, %shift_left3A_265 : vector<16xi32>
      %bitcast3A_267 = vector.bitcast %shift_left3A_266 : vector<16xi32> to vector<16xf32>
      %and3A_268 = arith.constant -65536 : i32
      %and3A_269 = vector.broadcast %and3A_268 : i32 to vector<16xi32>
      %and3A_270 = arith.andi %gather3A_263, %and3A_269 : vector<16xi32>
      %bitcast3A_271 = vector.bitcast %and3A_270 : vector<16xi32> to vector<16xf32>
      %add3A_272 = arith.addf %add3A_256, %bitcast3A_267 : vector<16xf32>
      %add3A_273 = arith.addf %add3A_257, %bitcast3A_271 : vector<16xf32>
      %scan3A_274 = arith.constant 6 : i32
      %scan3A_275 = arith.addi %scan3A_182, %scan3A_274 : i32
      %get3A_276 = arith.index_cast %scan3A_275 : i32 to index
      %get3A_277 = arith.constant 0 : index
      %get3A_278 = tpu.vector_load %arg6[%get3A_276, %get3A_277] {strides = array<i32>} : memref<200x128xi32, #tpu.memory_space<vmem>>, vector<16xi32>,
      %gather3A_279 = tpu.vector_load_idx %arg5[%get3A_278] : memref<100000xi32, #tpu.memory_space<vmem>>[vector<16xi32>], vector<16xi32>,
      %shift_left3A_280 = arith.constant 16 : i32
      %shift_left3A_281 = vector.broadcast %shift_left3A_280 : i32 to vector<16xi32>
      %shift_left3A_282 = arith.shli %gather3A_279, %shift_left3A_281 : vector<16xi32>
      %bitcast3A_283 = vector.bitcast %shift_left3A_282 : vector<16xi32> to vector<16xf32>
      %and3A_284 = arith.constant -65536 : i32
      %and3A_285 = vector.broadcast %and3A_284 : i32 to vector<16xi32>
      %and3A_286 = arith.andi %gather3A_279, %and3A_285 : vector<16xi32>
      %bitcast3A_287 = vector.bitcast %and3A_286 : vector<16xi32> to vector<16xf32>
      %add3A_288 = arith.addf %add3A_272, %bitcast3A_283 : vector<16xf32>
      %add3A_289 = arith.addf %add3A_273, %bitcast3A_287 : vector<16xf32>
      %scan3A_290 = arith.constant 7 : i32
      %scan3A_291 = arith.addi %scan3A_182, %scan3A_290 : i32
      %get3A_292 = arith.index_cast %scan3A_291 : i32 to index
      %get3A_293 = arith.constant 0 : index
      %get3A_294 = tpu.vector_load %arg6[%get3A_292, %get3A_293] {strides = array<i32>} : memref<200x128xi32, #tpu.memory_space<vmem>>, vector<16xi32>,
      %gather3A_295 = tpu.vector_load_idx %arg5[%get3A_294] : memref<100000xi32, #tpu.memory_space<vmem>>[vector<16xi32>], vector<16xi32>,
      %shift_left3A_296 = arith.constant 16 : i32
      %shift_left3A_297 = vector.broadcast %shift_left3A_296 : i32 to vector<16xi32>
      %shift_left3A_298 = arith.shli %gather3A_295, %shift_left3A_297 : vector<16xi32>
      %bitcast3A_299 = vector.bitcast %shift_left3A_298 : vector<16xi32> to vector<16xf32>
      %and3A_300 = arith.constant -65536 : i32
      %and3A_301 = vector.broadcast %and3A_300 : i32 to vector<16xi32>
      %and3A_302 = arith.andi %gather3A_295, %and3A_301 : vector<16xi32>
      %bitcast3A_303 = vector.bitcast %and3A_302 : vector<16xi32> to vector<16xf32>
      %add3A_304 = arith.addf %add3A_288, %bitcast3A_299 : vector<16xf32>
      %add3A_305 = arith.addf %add3A_289, %bitcast3A_303 : vector<16xf32>
      scf.yield %add3A_304, %add3A_305 : vector<16xf32>, vector<16xf32>
    }
    %scan3A_14 = arith.constant 200 : i32
    %mul3A_15 = arith.constant 5.000000e-03 : f32
    %mul3A_16 = vector.broadcast %mul3A_15 : f32 to vector<16xf32>
    %mul3A_17 = arith.mulf %scan3A_13#0, %mul3A_16 : vector<16xf32>
    %swap3A = arith.constant 0 : i32
    %swap3A_18 = arith.index_cast %swap3A : i32 to index
    %swap3A_19 = arith.constant 0 : index
    %swap3A_20 = tpu.vector_load %arg7[%swap3A_18, %swap3A_19] {strides = array<i32>} : memref<2x128xf32, #tpu.memory_space<vmem>>, vector<16xf32>,
    tpu.vector_store %arg7[%swap3A_18, %swap3A_19], %mul3A_17 {strides = array<i32>} : memref<2x128xf32, #tpu.memory_space<vmem>>, vector<16xf32>,
    %mul3A_21 = arith.constant 5.000000e-03 : f32
    %mul3A_22 = vector.broadcast %mul3A_21 : f32 to vector<16xf32>
    %mul3A_23 = arith.mulf %scan3A_13#1, %mul3A_22 : vector<16xf32>
    %swap3A_24 = arith.constant 1 : i32
    %swap3A_25 = arith.index_cast %swap3A_24 : i32 to index
    %swap3A_26 = arith.constant 0 : index
    %swap3A_27 = tpu.vector_load %arg7[%swap3A_25, %swap3A_26] {strides = array<i32>} : memref<2x128xf32, #tpu.memory_space<vmem>>, vector<16xf32>,
    tpu.vector_store %arg7[%swap3A_25, %swap3A_26], %mul3A_23 {strides = array<i32>} : memref<2x128xf32, #tpu.memory_space<vmem>>, vector<16xf32>,
    %broadcast_in_dim3A_28 = arith.constant 0.000000e+00 : f32
    %broadcast_in_dim3A_29 = vector.broadcast %broadcast_in_dim3A_28 : f32 to vector<16xf32>
    %scan3A_30 = arith.constant 0 : i32
    %scan3A_31 = arith.constant 200 : i32
    %scan3A_32 = arith.addi %scan3A_30, %scan3A_31 : i32
    %scan3A_33 = arith.constant 8 : i32
    %scan3A_34:2 = scf.for %scan3A_182 = %scan3A_30 to %scan3A_32 step %scan3A_33 iter_args(%scan3A_183 = %broadcast_in_dim3A_29, %scan3A_184 = %broadcast_in_dim3A_29) -> (vector<16xf32>, vector<16xf32>)  : i32 {
      %get3A = arith.index_cast %scan3A_182 : i32 to index
      %get3A_185 = arith.constant 16 : index
      %get3A_186 = tpu.vector_load %arg6[%get3A, %get3A_185] {strides = array<i32>} : memref<200x128xi32, #tpu.memory_space<vmem>>, vector<16xi32>,
      %gather3A = tpu.vector_load_idx %arg5[%get3A_186] : memref<100000xi32, #tpu.memory_space<vmem>>[vector<16xi32>], vector<16xi32>,
      %shift_left3A = arith.constant 16 : i32
      %shift_left3A_187 = vector.broadcast %shift_left3A : i32 to vector<16xi32>
      %shift_left3A_188 = arith.shli %gather3A, %shift_left3A_187 : vector<16xi32>
      %bitcast3A = vector.bitcast %shift_left3A_188 : vector<16xi32> to vector<16xf32>
      %and3A = arith.constant -65536 : i32
      %and3A_189 = vector.broadcast %and3A : i32 to vector<16xi32>
      %and3A_190 = arith.andi %gather3A, %and3A_189 : vector<16xi32>
      %bitcast3A_191 = vector.bitcast %and3A_190 : vector<16xi32> to vector<16xf32>
      %add3A_192 = arith.addf %scan3A_183, %bitcast3A : vector<16xf32>
      %add3A_193 = arith.addf %scan3A_184, %bitcast3A_191 : vector<16xf32>
      %scan3A_194 = arith.constant 1 : i32
      %scan3A_195 = arith.addi %scan3A_182, %scan3A_194 : i32
      %get3A_196 = arith.index_cast %scan3A_195 : i32 to index
      %get3A_197 = arith.constant 16 : index
      %get3A_198 = tpu.vector_load %arg6[%get3A_196, %get3A_197] {strides = array<i32>} : memref<200x128xi32, #tpu.memory_space<vmem>>, vector<16xi32>,
      %gather3A_199 = tpu.vector_load_idx %arg5[%get3A_198] : memref<100000xi32, #tpu.memory_space<vmem>>[vector<16xi32>], vector<16xi32>,
      %shift_left3A_200 = arith.constant 16 : i32
      %shift_left3A_201 = vector.broadcast %shift_left3A_200 : i32 to vector<16xi32>
      %shift_left3A_202 = arith.shli %gather3A_199, %shift_left3A_201 : vector<16xi32>
      %bitcast3A_203 = vector.bitcast %shift_left3A_202 : vector<16xi32> to vector<16xf32>
      %and3A_204 = arith.constant -65536 : i32
      %and3A_205 = vector.broadcast %and3A_204 : i32 to vector<16xi32>
      %and3A_206 = arith.andi %gather3A_199, %and3A_205 : vector<16xi32>
      %bitcast3A_207 = vector.bitcast %and3A_206 : vector<16xi32> to vector<16xf32>
      %add3A_208 = arith.addf %add3A_192, %bitcast3A_203 : vector<16xf32>
      %add3A_209 = arith.addf %add3A_193, %bitcast3A_207 : vector<16xf32>
      %scan3A_210 = arith.constant 2 : i32
      %scan3A_211 = arith.addi %scan3A_182, %scan3A_210 : i32
      %get3A_212 = arith.index_cast %scan3A_211 : i32 to index
      %get3A_213 = arith.constant 16 : index
      %get3A_214 = tpu.vector_load %arg6[%get3A_212, %get3A_213] {strides = array<i32>} : memref<200x128xi32, #tpu.memory_space<vmem>>, vector<16xi32>,
      %gather3A_215 = tpu.vector_load_idx %arg5[%get3A_214] : memref<100000xi32, #tpu.memory_space<vmem>>[vector<16xi32>], vector<16xi32>,
      %shift_left3A_216 = arith.constant 16 : i32
      %shift_left3A_217 = vector.broadcast %shift_left3A_216 : i32 to vector<16xi32>
      %shift_left3A_218 = arith.shli %gather3A_215, %shift_left3A_217 : vector<16xi32>
      %bitcast3A_219 = vector.bitcast %shift_left3A_218 : vector<16xi32> to vector<16xf32>
      %and3A_220 = arith.constant -65536 : i32
      %and3A_221 = vector.broadcast %and3A_220 : i32 to vector<16xi32>
      %and3A_222 = arith.andi %gather3A_215, %and3A_221 : vector<16xi32>
      %bitcast3A_223 = vector.bitcast %and3A_222 : vector<16xi32> to vector<16xf32>
      %add3A_224 = arith.addf %add3A_208, %bitcast3A_219 : vector<16xf32>
      %add3A_225 = arith.addf %add3A_209, %bitcast3A_223 : vector<16xf32>
      %scan3A_226 = arith.constant 3 : i32
      %scan3A_227 = arith.addi %scan3A_182, %scan3A_226 : i32
      %get3A_228 = arith.index_cast %scan3A_227 : i32 to index
      %get3A_229 = arith.constant 16 : index
      %get3A_230 = tpu.vector_load %arg6[%get3A_228, %get3A_229] {strides = array<i32>} : memref<200x128xi32, #tpu.memory_space<vmem>>, vector<16xi32>,
      %gather3A_231 = tpu.vector_load_idx %arg5[%get3A_230] : memref<100000xi32, #tpu.memory_space<vmem>>[vector<16xi32>], vector<16xi32>,
      %shift_left3A_232 = arith.constant 16 : i32
      %shift_left3A_233 = vector.broadcast %shift_left3A_232 : i32 to vector<16xi32>
      %shift_left3A_234 = arith.shli %gather3A_231, %shift_left3A_233 : vector<16xi32>
      %bitcast3A_235 = vector.bitcast %shift_left3A_234 : vector<16xi32> to vector<16xf32>
      %and3A_236 = arith.constant -65536 : i32
      %and3A_237 = vector.broadcast %and3A_236 : i32 to vector<16xi32>
      %and3A_238 = arith.andi %gather3A_231, %and3A_237 : vector<16xi32>
      %bitcast3A_239 = vector.bitcast %and3A_238 : vector<16xi32> to vector<16xf32>
      %add3A_240 = arith.addf %add3A_224, %bitcast3A_235 : vector<16xf32>
      %add3A_241 = arith.addf %add3A_225, %bitcast3A_239 : vector<16xf32>
      %scan3A_242 = arith.constant 4 : i32
      %scan3A_243 = arith.addi %scan3A_182, %scan3A_242 : i32
      %get3A_244 = arith.index_cast %scan3A_243 : i32 to index
      %get3A_245 = arith.constant 16 : index
      %get3A_246 = tpu.vector_load %arg6[%get3A_244, %get3A_245] {strides = array<i32>} : memref<200x128xi32, #tpu.memory_space<vmem>>, vector<16xi32>,
      %gather3A_247 = tpu.vector_load_idx %arg5[%get3A_246] : memref<100000xi32, #tpu.memory_space<vmem>>[vector<16xi32>], vector<16xi32>,
      %shift_left3A_248 = arith.constant 16 : i32
      %shift_left3A_249 = vector.broadcast %shift_left3A_248 : i32 to vector<16xi32>
      %shift_left3A_250 = arith.shli %gather3A_247, %shift_left3A_249 : vector<16xi32>
      %bitcast3A_251 = vector.bitcast %shift_left3A_250 : vector<16xi32> to vector<16xf32>
      %and3A_252 = arith.constant -65536 : i32
      %and3A_253 = vector.broadcast %and3A_252 : i32 to vector<16xi32>
      %and3A_254 = arith.andi %gather3A_247, %and3A_253 : vector<16xi32>
      %bitcast3A_255 = vector.bitcast %and3A_254 : vector<16xi32> to vector<16xf32>
      %add3A_256 = arith.addf %add3A_240, %bitcast3A_251 : vector<16xf32>
      %add3A_257 = arith.addf %add3A_241, %bitcast3A_255 : vector<16xf32>
      %scan3A_258 = arith.constant 5 : i32
      %scan3A_259 = arith.addi %scan3A_182, %scan3A_258 : i32
      %get3A_260 = arith.index_cast %scan3A_259 : i32 to index
      %get3A_261 = arith.constant 16 : index
      %get3A_262 = tpu.vector_load %arg6[%get3A_260, %get3A_261] {strides = array<i32>} : memref<200x128xi32, #tpu.memory_space<vmem>>, vector<16xi32>,
      %gather3A_263 = tpu.vector_load_idx %arg5[%get3A_262] : memref<100000xi32, #tpu.memory_space<vmem>>[vector<16xi32>], vector<16xi32>,
      %shift_left3A_264 = arith.constant 16 : i32
      %shift_left3A_265 = vector.broadcast %shift_left3A_264 : i32 to vector<16xi32>
      %shift_left3A_266 = arith.shli %gather3A_263, %shift_left3A_265 : vector<16xi32>
      %bitcast3A_267 = vector.bitcast %shift_left3A_266 : vector<16xi32> to vector<16xf32>
      %and3A_268 = arith.constant -65536 : i32
      %and3A_269 = vector.broadcast %and3A_268 : i32 to vector<16xi32>
      %and3A_270 = arith.andi %gather3A_263, %and3A_269 : vector<16xi32>
      %bitcast3A_271 = vector.bitcast %and3A_270 : vector<16xi32> to vector<16xf32>
      %add3A_272 = arith.addf %add3A_256, %bitcast3A_267 : vector<16xf32>
      %add3A_273 = arith.addf %add3A_257, %bitcast3A_271 : vector<16xf32>
      %scan3A_274 = arith.constant 6 : i32
      %scan3A_275 = arith.addi %scan3A_182, %scan3A_274 : i32
      %get3A_276 = arith.index_cast %scan3A_275 : i32 to index
      %get3A_277 = arith.constant 16 : index
      %get3A_278 = tpu.vector_load %arg6[%get3A_276, %get3A_277] {strides = array<i32>} : memref<200x128xi32, #tpu.memory_space<vmem>>, vector<16xi32>,
      %gather3A_279 = tpu.vector_load_idx %arg5[%get3A_278] : memref<100000xi32, #tpu.memory_space<vmem>>[vector<16xi32>], vector<16xi32>,
      %shift_left3A_280 = arith.constant 16 : i32
      %shift_left3A_281 = vector.broadcast %shift_left3A_280 : i32 to vector<16xi32>
      %shift_left3A_282 = arith.shli %gather3A_279, %shift_left3A_281 : vector<16xi32>
      %bitcast3A_283 = vector.bitcast %shift_left3A_282 : vector<16xi32> to vector<16xf32>
      %and3A_284 = arith.constant -65536 : i32
      %and3A_285 = vector.broadcast %and3A_284 : i32 to vector<16xi32>
      %and3A_286 = arith.andi %gather3A_279, %and3A_285 : vector<16xi32>
      %bitcast3A_287 = vector.bitcast %and3A_286 : vector<16xi32> to vector<16xf32>
      %add3A_288 = arith.addf %add3A_272, %bitcast3A_283 : vector<16xf32>
      %add3A_289 = arith.addf %add3A_273, %bitcast3A_287 : vector<16xf32>
      %scan3A_290 = arith.constant 7 : i32
      %scan3A_291 = arith.addi %scan3A_182, %scan3A_290 : i32
      %get3A_292 = arith.index_cast %scan3A_291 : i32 to index
      %get3A_293 = arith.constant 16 : index
      %get3A_294 = tpu.vector_load %arg6[%get3A_292, %get3A_293] {strides = array<i32>} : memref<200x128xi32, #tpu.memory_space<vmem>>, vector<16xi32>,
      %gather3A_295 = tpu.vector_load_idx %arg5[%get3A_294] : memref<100000xi32, #tpu.memory_space<vmem>>[vector<16xi32>], vector<16xi32>,
      %shift_left3A_296 = arith.constant 16 : i32
      %shift_left3A_297 = vector.broadcast %shift_left3A_296 : i32 to vector<16xi32>
      %shift_left3A_298 = arith.shli %gather3A_295, %shift_left3A_297 : vector<16xi32>
      %bitcast3A_299 = vector.bitcast %shift_left3A_298 : vector<16xi32> to vector<16xf32>
      %and3A_300 = arith.constant -65536 : i32
      %and3A_301 = vector.broadcast %and3A_300 : i32 to vector<16xi32>
      %and3A_302 = arith.andi %gather3A_295, %and3A_301 : vector<16xi32>
      %bitcast3A_303 = vector.bitcast %and3A_302 : vector<16xi32> to vector<16xf32>
      %add3A_304 = arith.addf %add3A_288, %bitcast3A_299 : vector<16xf32>
      %add3A_305 = arith.addf %add3A_289, %bitcast3A_303 : vector<16xf32>
      scf.yield %add3A_304, %add3A_305 : vector<16xf32>, vector<16xf32>
    }
    %scan3A_35 = arith.constant 200 : i32
    %mul3A_36 = arith.constant 5.000000e-03 : f32
    %mul3A_37 = vector.broadcast %mul3A_36 : f32 to vector<16xf32>
    %mul3A_38 = arith.mulf %scan3A_34#0, %mul3A_37 : vector<16xf32>
    %swap3A_39 = arith.constant 0 : i32
    %swap3A_40 = arith.index_cast %swap3A_39 : i32 to index
    %swap3A_41 = arith.constant 16 : index
    %swap3A_42 = tpu.vector_load %arg7[%swap3A_40, %swap3A_41] {strides = array<i32>} : memref<2x128xf32, #tpu.memory_space<vmem>>, vector<16xf32>,
    tpu.vector_store %arg7[%swap3A_40, %swap3A_41], %mul3A_38 {strides = array<i32>} : memref<2x128xf32, #tpu.memory_space<vmem>>, vector<16xf32>,
    %mul3A_43 = arith.constant 5.000000e-03 : f32
    %mul3A_44 = vector.broadcast %mul3A_43 : f32 to vector<16xf32>
    %mul3A_45 = arith.mulf %scan3A_34#1, %mul3A_44 : vector<16xf32>
    %swap3A_46 = arith.constant 1 : i32
    %swap3A_47 = arith.index_cast %swap3A_46 : i32 to index
    %swap3A_48 = arith.constant 16 : index
    %swap3A_49 = tpu.vector_load %arg7[%swap3A_47, %swap3A_48] {strides = array<i32>} : memref<2x128xf32, #tpu.memory_space<vmem>>, vector<16xf32>,
    tpu.vector_store %arg7[%swap3A_47, %swap3A_48], %mul3A_45 {strides = array<i32>} : memref<2x128xf32, #tpu.memory_space<vmem>>, vector<16xf32>,
    %broadcast_in_dim3A_50 = arith.constant 0.000000e+00 : f32
    %broadcast_in_dim3A_51 = vector.broadcast %broadcast_in_dim3A_50 : f32 to vector<16xf32>
    %scan3A_52 = arith.constant 0 : i32
    %scan3A_53 = arith.constant 200 : i32
    %scan3A_54 = arith.addi %scan3A_52, %scan3A_53 : i32
    %scan3A_55 = arith.constant 8 : i32
    %scan3A_56:2 = scf.for %scan3A_182 = %scan3A_52 to %scan3A_54 step %scan3A_55 iter_args(%scan3A_183 = %broadcast_in_dim3A_51, %scan3A_184 = %broadcast_in_dim3A_51) -> (vector<16xf32>, vector<16xf32>)  : i32 {
      %get3A = arith.index_cast %scan3A_182 : i32 to index
      %get3A_185 = arith.constant 32 : index
      %get3A_186 = tpu.vector_load %arg6[%get3A, %get3A_185] {strides = array<i32>} : memref<200x128xi32, #tpu.memory_space<vmem>>, vector<16xi32>,
      %gather3A = tpu.vector_load_idx %arg5[%get3A_186] : memref<100000xi32, #tpu.memory_space<vmem>>[vector<16xi32>], vector<16xi32>,
      %shift_left3A = arith.constant 16 : i32
      %shift_left3A_187 = vector.broadcast %shift_left3A : i32 to vector<16xi32>
      %shift_left3A_188 = arith.shli %gather3A, %shift_left3A_187 : vector<16xi32>
      %bitcast3A = vector.bitcast %shift_left3A_188 : vector<16xi32> to vector<16xf32>
      %and3A = arith.constant -65536 : i32
      %and3A_189 = vector.broadcast %and3A : i32 to vector<16xi32>
      %and3A_190 = arith.andi %gather3A, %and3A_189 : vector<16xi32>
      %bitcast3A_191 = vector.bitcast %and3A_190 : vector<16xi32> to vector<16xf32>
      %add3A_192 = arith.addf %scan3A_183, %bitcast3A : vector<16xf32>
      %add3A_193 = arith.addf %scan3A_184, %bitcast3A_191 : vector<16xf32>
      %scan3A_194 = arith.constant 1 : i32
      %scan3A_195 = arith.addi %scan3A_182, %scan3A_194 : i32
      %get3A_196 = arith.index_cast %scan3A_195 : i32 to index
      %get3A_197 = arith.constant 32 : index
      %get3A_198 = tpu.vector_load %arg6[%get3A_196, %get3A_197] {strides = array<i32>} : memref<200x128xi32, #tpu.memory_space<vmem>>, vector<16xi32>,
      %gather3A_199 = tpu.vector_load_idx %arg5[%get3A_198] : memref<100000xi32, #tpu.memory_space<vmem>>[vector<16xi32>], vector<16xi32>,
      %shift_left3A_200 = arith.constant 16 : i32
      %shift_left3A_201 = vector.broadcast %shift_left3A_200 : i32 to vector<16xi32>
      %shift_left3A_202 = arith.shli %gather3A_199, %shift_left3A_201 : vector<16xi32>
      %bitcast3A_203 = vector.bitcast %shift_left3A_202 : vector<16xi32> to vector<16xf32>
      %and3A_204 = arith.constant -65536 : i32
      %and3A_205 = vector.broadcast %and3A_204 : i32 to vector<16xi32>
      %and3A_206 = arith.andi %gather3A_199, %and3A_205 : vector<16xi32>
      %bitcast3A_207 = vector.bitcast %and3A_206 : vector<16xi32> to vector<16xf32>
      %add3A_208 = arith.addf %add3A_192, %bitcast3A_203 : vector<16xf32>
      %add3A_209 = arith.addf %add3A_193, %bitcast3A_207 : vector<16xf32>
      %scan3A_210 = arith.constant 2 : i32
      %scan3A_211 = arith.addi %scan3A_182, %scan3A_210 : i32
      %get3A_212 = arith.index_cast %scan3A_211 : i32 to index
      %get3A_213 = arith.constant 32 : index
      %get3A_214 = tpu.vector_load %arg6[%get3A_212, %get3A_213] {strides = array<i32>} : memref<200x128xi32, #tpu.memory_space<vmem>>, vector<16xi32>,
      %gather3A_215 = tpu.vector_load_idx %arg5[%get3A_214] : memref<100000xi32, #tpu.memory_space<vmem>>[vector<16xi32>], vector<16xi32>,
      %shift_left3A_216 = arith.constant 16 : i32
      %shift_left3A_217 = vector.broadcast %shift_left3A_216 : i32 to vector<16xi32>
      %shift_left3A_218 = arith.shli %gather3A_215, %shift_left3A_217 : vector<16xi32>
      %bitcast3A_219 = vector.bitcast %shift_left3A_218 : vector<16xi32> to vector<16xf32>
      %and3A_220 = arith.constant -65536 : i32
      %and3A_221 = vector.broadcast %and3A_220 : i32 to vector<16xi32>
      %and3A_222 = arith.andi %gather3A_215, %and3A_221 : vector<16xi32>
      %bitcast3A_223 = vector.bitcast %and3A_222 : vector<16xi32> to vector<16xf32>
      %add3A_224 = arith.addf %add3A_208, %bitcast3A_219 : vector<16xf32>
      %add3A_225 = arith.addf %add3A_209, %bitcast3A_223 : vector<16xf32>
      %scan3A_226 = arith.constant 3 : i32
      %scan3A_227 = arith.addi %scan3A_182, %scan3A_226 : i32
      %get3A_228 = arith.index_cast %scan3A_227 : i32 to index
      %get3A_229 = arith.constant 32 : index
      %get3A_230 = tpu.vector_load %arg6[%get3A_228, %get3A_229] {strides = array<i32>} : memref<200x128xi32, #tpu.memory_space<vmem>>, vector<16xi32>,
      %gather3A_231 = tpu.vector_load_idx %arg5[%get3A_230] : memref<100000xi32, #tpu.memory_space<vmem>>[vector<16xi32>], vector<16xi32>,
      %shift_left3A_232 = arith.constant 16 : i32
      %shift_left3A_233 = vector.broadcast %shift_left3A_232 : i32 to vector<16xi32>
      %shift_left3A_234 = arith.shli %gather3A_231, %shift_left3A_233 : vector<16xi32>
      %bitcast3A_235 = vector.bitcast %shift_left3A_234 : vector<16xi32> to vector<16xf32>
      %and3A_236 = arith.constant -65536 : i32
      %and3A_237 = vector.broadcast %and3A_236 : i32 to vector<16xi32>
      %and3A_238 = arith.andi %gather3A_231, %and3A_237 : vector<16xi32>
      %bitcast3A_239 = vector.bitcast %and3A_238 : vector<16xi32> to vector<16xf32>
      %add3A_240 = arith.addf %add3A_224, %bitcast3A_235 : vector<16xf32>
      %add3A_241 = arith.addf %add3A_225, %bitcast3A_239 : vector<16xf32>
      %scan3A_242 = arith.constant 4 : i32
      %scan3A_243 = arith.addi %scan3A_182, %scan3A_242 : i32
      %get3A_244 = arith.index_cast %scan3A_243 : i32 to index
      %get3A_245 = arith.constant 32 : index
      %get3A_246 = tpu.vector_load %arg6[%get3A_244, %get3A_245] {strides = array<i32>} : memref<200x128xi32, #tpu.memory_space<vmem>>, vector<16xi32>,
      %gather3A_247 = tpu.vector_load_idx %arg5[%get3A_246] : memref<100000xi32, #tpu.memory_space<vmem>>[vector<16xi32>], vector<16xi32>,
      %shift_left3A_248 = arith.constant 16 : i32
      %shift_left3A_249 = vector.broadcast %shift_left3A_248 : i32 to vector<16xi32>
      %shift_left3A_250 = arith.shli %gather3A_247, %shift_left3A_249 : vector<16xi32>
      %bitcast3A_251 = vector.bitcast %shift_left3A_250 : vector<16xi32> to vector<16xf32>
      %and3A_252 = arith.constant -65536 : i32
      %and3A_253 = vector.broadcast %and3A_252 : i32 to vector<16xi32>
      %and3A_254 = arith.andi %gather3A_247, %and3A_253 : vector<16xi32>
      %bitcast3A_255 = vector.bitcast %and3A_254 : vector<16xi32> to vector<16xf32>
      %add3A_256 = arith.addf %add3A_240, %bitcast3A_251 : vector<16xf32>
      %add3A_257 = arith.addf %add3A_241, %bitcast3A_255 : vector<16xf32>
      %scan3A_258 = arith.constant 5 : i32
      %scan3A_259 = arith.addi %scan3A_182, %scan3A_258 : i32
      %get3A_260 = arith.index_cast %scan3A_259 : i32 to index
      %get3A_261 = arith.constant 32 : index
      %get3A_262 = tpu.vector_load %arg6[%get3A_260, %get3A_261] {strides = array<i32>} : memref<200x128xi32, #tpu.memory_space<vmem>>, vector<16xi32>,
      %gather3A_263 = tpu.vector_load_idx %arg5[%get3A_262] : memref<100000xi32, #tpu.memory_space<vmem>>[vector<16xi32>], vector<16xi32>,
      %shift_left3A_264 = arith.constant 16 : i32
      %shift_left3A_265 = vector.broadcast %shift_left3A_264 : i32 to vector<16xi32>
      %shift_left3A_266 = arith.shli %gather3A_263, %shift_left3A_265 : vector<16xi32>
      %bitcast3A_267 = vector.bitcast %shift_left3A_266 : vector<16xi32> to vector<16xf32>
      %and3A_268 = arith.constant -65536 : i32
      %and3A_269 = vector.broadcast %and3A_268 : i32 to vector<16xi32>
      %and3A_270 = arith.andi %gather3A_263, %and3A_269 : vector<16xi32>
      %bitcast3A_271 = vector.bitcast %and3A_270 : vector<16xi32> to vector<16xf32>
      %add3A_272 = arith.addf %add3A_256, %bitcast3A_267 : vector<16xf32>
      %add3A_273 = arith.addf %add3A_257, %bitcast3A_271 : vector<16xf32>
      %scan3A_274 = arith.constant 6 : i32
      %scan3A_275 = arith.addi %scan3A_182, %scan3A_274 : i32
      %get3A_276 = arith.index_cast %scan3A_275 : i32 to index
      %get3A_277 = arith.constant 32 : index
      %get3A_278 = tpu.vector_load %arg6[%get3A_276, %get3A_277] {strides = array<i32>} : memref<200x128xi32, #tpu.memory_space<vmem>>, vector<16xi32>,
      %gather3A_279 = tpu.vector_load_idx %arg5[%get3A_278] : memref<100000xi32, #tpu.memory_space<vmem>>[vector<16xi32>], vector<16xi32>,
      %shift_left3A_280 = arith.constant 16 : i32
      %shift_left3A_281 = vector.broadcast %shift_left3A_280 : i32 to vector<16xi32>
      %shift_left3A_282 = arith.shli %gather3A_279, %shift_left3A_281 : vector<16xi32>
      %bitcast3A_283 = vector.bitcast %shift_left3A_282 : vector<16xi32> to vector<16xf32>
      %and3A_284 = arith.constant -65536 : i32
      %and3A_285 = vector.broadcast %and3A_284 : i32 to vector<16xi32>
      %and3A_286 = arith.andi %gather3A_279, %and3A_285 : vector<16xi32>
      %bitcast3A_287 = vector.bitcast %and3A_286 : vector<16xi32> to vector<16xf32>
      %add3A_288 = arith.addf %add3A_272, %bitcast3A_283 : vector<16xf32>
      %add3A_289 = arith.addf %add3A_273, %bitcast3A_287 : vector<16xf32>
      %scan3A_290 = arith.constant 7 : i32
      %scan3A_291 = arith.addi %scan3A_182, %scan3A_290 : i32
      %get3A_292 = arith.index_cast %scan3A_291 : i32 to index
      %get3A_293 = arith.constant 32 : index
      %get3A_294 = tpu.vector_load %arg6[%get3A_292, %get3A_293] {strides = array<i32>} : memref<200x128xi32, #tpu.memory_space<vmem>>, vector<16xi32>,
      %gather3A_295 = tpu.vector_load_idx %arg5[%get3A_294] : memref<100000xi32, #tpu.memory_space<vmem>>[vector<16xi32>], vector<16xi32>,
      %shift_left3A_296 = arith.constant 16 : i32
      %shift_left3A_297 = vector.broadcast %shift_left3A_296 : i32 to vector<16xi32>
      %shift_left3A_298 = arith.shli %gather3A_295, %shift_left3A_297 : vector<16xi32>
      %bitcast3A_299 = vector.bitcast %shift_left3A_298 : vector<16xi32> to vector<16xf32>
      %and3A_300 = arith.constant -65536 : i32
      %and3A_301 = vector.broadcast %and3A_300 : i32 to vector<16xi32>
      %and3A_302 = arith.andi %gather3A_295, %and3A_301 : vector<16xi32>
      %bitcast3A_303 = vector.bitcast %and3A_302 : vector<16xi32> to vector<16xf32>
      %add3A_304 = arith.addf %add3A_288, %bitcast3A_299 : vector<16xf32>
      %add3A_305 = arith.addf %add3A_289, %bitcast3A_303 : vector<16xf32>
      scf.yield %add3A_304, %add3A_305 : vector<16xf32>, vector<16xf32>
    }
    %scan3A_57 = arith.constant 200 : i32
    %mul3A_58 = arith.constant 5.000000e-03 : f32
    %mul3A_59 = vector.broadcast %mul3A_58 : f32 to vector<16xf32>
    %mul3A_60 = arith.mulf %scan3A_56#0, %mul3A_59 : vector<16xf32>
    %swap3A_61 = arith.constant 0 : i32
    %swap3A_62 = arith.index_cast %swap3A_61 : i32 to index
    %swap3A_63 = arith.constant 32 : index
    %swap3A_64 = tpu.vector_load %arg7[%swap3A_62, %swap3A_63] {strides = array<i32>} : memref<2x128xf32, #tpu.memory_space<vmem>>, vector<16xf32>,
    tpu.vector_store %arg7[%swap3A_62, %swap3A_63], %mul3A_60 {strides = array<i32>} : memref<2x128xf32, #tpu.memory_space<vmem>>, vector<16xf32>,
    %mul3A_65 = arith.constant 5.000000e-03 : f32
    %mul3A_66 = vector.broadcast %mul3A_65 : f32 to vector<16xf32>
    %mul3A_67 = arith.mulf %scan3A_56#1, %mul3A_66 : vector<16xf32>
    %swap3A_68 = arith.constant 1 : i32
    %swap3A_69 = arith.index_cast %swap3A_68 : i32 to index
    %swap3A_70 = arith.constant 32 : index
    %swap3A_71 = tpu.vector_load %arg7[%swap3A_69, %swap3A_70] {strides = array<i32>} : memref<2x128xf32, #tpu.memory_space<vmem>>, vector<16xf32>,
    tpu.vector_store %arg7[%swap3A_69, %swap3A_70], %mul3A_67 {strides = array<i32>} : memref<2x128xf32, #tpu.memory_space<vmem>>, vector<16xf32>,
    %broadcast_in_dim3A_72 = arith.constant 0.000000e+00 : f32
    %broadcast_in_dim3A_73 = vector.broadcast %broadcast_in_dim3A_72 : f32 to vector<16xf32>
    %scan3A_74 = arith.constant 0 : i32
    %scan3A_75 = arith.constant 200 : i32
    %scan3A_76 = arith.addi %scan3A_74, %scan3A_75 : i32
    %scan3A_77 = arith.constant 8 : i32
    %scan3A_78:2 = scf.for %scan3A_182 = %scan3A_74 to %scan3A_76 step %scan3A_77 iter_args(%scan3A_183 = %broadcast_in_dim3A_73, %scan3A_184 = %broadcast_in_dim3A_73) -> (vector<16xf32>, vector<16xf32>)  : i32 {
      %get3A = arith.index_cast %scan3A_182 : i32 to index
      %get3A_185 = arith.constant 48 : index
      %get3A_186 = tpu.vector_load %arg6[%get3A, %get3A_185] {strides = array<i32>} : memref<200x128xi32, #tpu.memory_space<vmem>>, vector<16xi32>,
      %gather3A = tpu.vector_load_idx %arg5[%get3A_186] : memref<100000xi32, #tpu.memory_space<vmem>>[vector<16xi32>], vector<16xi32>,
      %shift_left3A = arith.constant 16 : i32
      %shift_left3A_187 = vector.broadcast %shift_left3A : i32 to vector<16xi32>
      %shift_left3A_188 = arith.shli %gather3A, %shift_left3A_187 : vector<16xi32>
      %bitcast3A = vector.bitcast %shift_left3A_188 : vector<16xi32> to vector<16xf32>
      %and3A = arith.constant -65536 : i32
      %and3A_189 = vector.broadcast %and3A : i32 to vector<16xi32>
      %and3A_190 = arith.andi %gather3A, %and3A_189 : vector<16xi32>
      %bitcast3A_191 = vector.bitcast %and3A_190 : vector<16xi32> to vector<16xf32>
      %add3A_192 = arith.addf %scan3A_183, %bitcast3A : vector<16xf32>
      %add3A_193 = arith.addf %scan3A_184, %bitcast3A_191 : vector<16xf32>
      %scan3A_194 = arith.constant 1 : i32
      %scan3A_195 = arith.addi %scan3A_182, %scan3A_194 : i32
      %get3A_196 = arith.index_cast %scan3A_195 : i32 to index
      %get3A_197 = arith.constant 48 : index
      %get3A_198 = tpu.vector_load %arg6[%get3A_196, %get3A_197] {strides = array<i32>} : memref<200x128xi32, #tpu.memory_space<vmem>>, vector<16xi32>,
      %gather3A_199 = tpu.vector_load_idx %arg5[%get3A_198] : memref<100000xi32, #tpu.memory_space<vmem>>[vector<16xi32>], vector<16xi32>,
      %shift_left3A_200 = arith.constant 16 : i32
      %shift_left3A_201 = vector.broadcast %shift_left3A_200 : i32 to vector<16xi32>
      %shift_left3A_202 = arith.shli %gather3A_199, %shift_left3A_201 : vector<16xi32>
      %bitcast3A_203 = vector.bitcast %shift_left3A_202 : vector<16xi32> to vector<16xf32>
      %and3A_204 = arith.constant -65536 : i32
      %and3A_205 = vector.broadcast %and3A_204 : i32 to vector<16xi32>
      %and3A_206 = arith.andi %gather3A_199, %and3A_205 : vector<16xi32>
      %bitcast3A_207 = vector.bitcast %and3A_206 : vector<16xi32> to vector<16xf32>
      %add3A_208 = arith.addf %add3A_192, %bitcast3A_203 : vector<16xf32>
      %add3A_209 = arith.addf %add3A_193, %bitcast3A_207 : vector<16xf32>
      %scan3A_210 = arith.constant 2 : i32
      %scan3A_211 = arith.addi %scan3A_182, %scan3A_210 : i32
      %get3A_212 = arith.index_cast %scan3A_211 : i32 to index
      %get3A_213 = arith.constant 48 : index
      %get3A_214 = tpu.vector_load %arg6[%get3A_212, %get3A_213] {strides = array<i32>} : memref<200x128xi32, #tpu.memory_space<vmem>>, vector<16xi32>,
      %gather3A_215 = tpu.vector_load_idx %arg5[%get3A_214] : memref<100000xi32, #tpu.memory_space<vmem>>[vector<16xi32>], vector<16xi32>,
      %shift_left3A_216 = arith.constant 16 : i32
      %shift_left3A_217 = vector.broadcast %shift_left3A_216 : i32 to vector<16xi32>
      %shift_left3A_218 = arith.shli %gather3A_215, %shift_left3A_217 : vector<16xi32>
      %bitcast3A_219 = vector.bitcast %shift_left3A_218 : vector<16xi32> to vector<16xf32>
      %and3A_220 = arith.constant -65536 : i32
      %and3A_221 = vector.broadcast %and3A_220 : i32 to vector<16xi32>
      %and3A_222 = arith.andi %gather3A_215, %and3A_221 : vector<16xi32>
      %bitcast3A_223 = vector.bitcast %and3A_222 : vector<16xi32> to vector<16xf32>
      %add3A_224 = arith.addf %add3A_208, %bitcast3A_219 : vector<16xf32>
      %add3A_225 = arith.addf %add3A_209, %bitcast3A_223 : vector<16xf32>
      %scan3A_226 = arith.constant 3 : i32
      %scan3A_227 = arith.addi %scan3A_182, %scan3A_226 : i32
      %get3A_228 = arith.index_cast %scan3A_227 : i32 to index
      %get3A_229 = arith.constant 48 : index
      %get3A_230 = tpu.vector_load %arg6[%get3A_228, %get3A_229] {strides = array<i32>} : memref<200x128xi32, #tpu.memory_space<vmem>>, vector<16xi32>,
      %gather3A_231 = tpu.vector_load_idx %arg5[%get3A_230] : memref<100000xi32, #tpu.memory_space<vmem>>[vector<16xi32>], vector<16xi32>,
      %shift_left3A_232 = arith.constant 16 : i32
      %shift_left3A_233 = vector.broadcast %shift_left3A_232 : i32 to vector<16xi32>
      %shift_left3A_234 = arith.shli %gather3A_231, %shift_left3A_233 : vector<16xi32>
      %bitcast3A_235 = vector.bitcast %shift_left3A_234 : vector<16xi32> to vector<16xf32>
      %and3A_236 = arith.constant -65536 : i32
      %and3A_237 = vector.broadcast %and3A_236 : i32 to vector<16xi32>
      %and3A_238 = arith.andi %gather3A_231, %and3A_237 : vector<16xi32>
      %bitcast3A_239 = vector.bitcast %and3A_238 : vector<16xi32> to vector<16xf32>
      %add3A_240 = arith.addf %add3A_224, %bitcast3A_235 : vector<16xf32>
      %add3A_241 = arith.addf %add3A_225, %bitcast3A_239 : vector<16xf32>
      %scan3A_242 = arith.constant 4 : i32
      %scan3A_243 = arith.addi %scan3A_182, %scan3A_242 : i32
      %get3A_244 = arith.index_cast %scan3A_243 : i32 to index
      %get3A_245 = arith.constant 48 : index
      %get3A_246 = tpu.vector_load %arg6[%get3A_244, %get3A_245] {strides = array<i32>} : memref<200x128xi32, #tpu.memory_space<vmem>>, vector<16xi32>,
      %gather3A_247 = tpu.vector_load_idx %arg5[%get3A_246] : memref<100000xi32, #tpu.memory_space<vmem>>[vector<16xi32>], vector<16xi32>,
      %shift_left3A_248 = arith.constant 16 : i32
      %shift_left3A_249 = vector.broadcast %shift_left3A_248 : i32 to vector<16xi32>
      %shift_left3A_250 = arith.shli %gather3A_247, %shift_left3A_249 : vector<16xi32>
      %bitcast3A_251 = vector.bitcast %shift_left3A_250 : vector<16xi32> to vector<16xf32>
      %and3A_252 = arith.constant -65536 : i32
      %and3A_253 = vector.broadcast %and3A_252 : i32 to vector<16xi32>
      %and3A_254 = arith.andi %gather3A_247, %and3A_253 : vector<16xi32>
      %bitcast3A_255 = vector.bitcast %and3A_254 : vector<16xi32> to vector<16xf32>
      %add3A_256 = arith.addf %add3A_240, %bitcast3A_251 : vector<16xf32>
      %add3A_257 = arith.addf %add3A_241, %bitcast3A_255 : vector<16xf32>
      %scan3A_258 = arith.constant 5 : i32
      %scan3A_259 = arith.addi %scan3A_182, %scan3A_258 : i32
      %get3A_260 = arith.index_cast %scan3A_259 : i32 to index
      %get3A_261 = arith.constant 48 : index
      %get3A_262 = tpu.vector_load %arg6[%get3A_260, %get3A_261] {strides = array<i32>} : memref<200x128xi32, #tpu.memory_space<vmem>>, vector<16xi32>,
      %gather3A_263 = tpu.vector_load_idx %arg5[%get3A_262] : memref<100000xi32, #tpu.memory_space<vmem>>[vector<16xi32>], vector<16xi32>,
      %shift_left3A_264 = arith.constant 16 : i32
      %shift_left3A_265 = vector.broadcast %shift_left3A_264 : i32 to vector<16xi32>
      %shift_left3A_266 = arith.shli %gather3A_263, %shift_left3A_265 : vector<16xi32>
      %bitcast3A_267 = vector.bitcast %shift_left3A_266 : vector<16xi32> to vector<16xf32>
      %and3A_268 = arith.constant -65536 : i32
      %and3A_269 = vector.broadcast %and3A_268 : i32 to vector<16xi32>
      %and3A_270 = arith.andi %gather3A_263, %and3A_269 : vector<16xi32>
      %bitcast3A_271 = vector.bitcast %and3A_270 : vector<16xi32> to vector<16xf32>
      %add3A_272 = arith.addf %add3A_256, %bitcast3A_267 : vector<16xf32>
      %add3A_273 = arith.addf %add3A_257, %bitcast3A_271 : vector<16xf32>
      %scan3A_274 = arith.constant 6 : i32
      %scan3A_275 = arith.addi %scan3A_182, %scan3A_274 : i32
      %get3A_276 = arith.index_cast %scan3A_275 : i32 to index
      %get3A_277 = arith.constant 48 : index
      %get3A_278 = tpu.vector_load %arg6[%get3A_276, %get3A_277] {strides = array<i32>} : memref<200x128xi32, #tpu.memory_space<vmem>>, vector<16xi32>,
      %gather3A_279 = tpu.vector_load_idx %arg5[%get3A_278] : memref<100000xi32, #tpu.memory_space<vmem>>[vector<16xi32>], vector<16xi32>,
      %shift_left3A_280 = arith.constant 16 : i32
      %shift_left3A_281 = vector.broadcast %shift_left3A_280 : i32 to vector<16xi32>
      %shift_left3A_282 = arith.shli %gather3A_279, %shift_left3A_281 : vector<16xi32>
      %bitcast3A_283 = vector.bitcast %shift_left3A_282 : vector<16xi32> to vector<16xf32>
      %and3A_284 = arith.constant -65536 : i32
      %and3A_285 = vector.broadcast %and3A_284 : i32 to vector<16xi32>
      %and3A_286 = arith.andi %gather3A_279, %and3A_285 : vector<16xi32>
      %bitcast3A_287 = vector.bitcast %and3A_286 : vector<16xi32> to vector<16xf32>
      %add3A_288 = arith.addf %add3A_272, %bitcast3A_283 : vector<16xf32>
      %add3A_289 = arith.addf %add3A_273, %bitcast3A_287 : vector<16xf32>
      %scan3A_290 = arith.constant 7 : i32
      %scan3A_291 = arith.addi %scan3A_182, %scan3A_290 : i32
      %get3A_292 = arith.index_cast %scan3A_291 : i32 to index
      %get3A_293 = arith.constant 48 : index
      %get3A_294 = tpu.vector_load %arg6[%get3A_292, %get3A_293] {strides = array<i32>} : memref<200x128xi32, #tpu.memory_space<vmem>>, vector<16xi32>,
      %gather3A_295 = tpu.vector_load_idx %arg5[%get3A_294] : memref<100000xi32, #tpu.memory_space<vmem>>[vector<16xi32>], vector<16xi32>,
      %shift_left3A_296 = arith.constant 16 : i32
      %shift_left3A_297 = vector.broadcast %shift_left3A_296 : i32 to vector<16xi32>
      %shift_left3A_298 = arith.shli %gather3A_295, %shift_left3A_297 : vector<16xi32>
      %bitcast3A_299 = vector.bitcast %shift_left3A_298 : vector<16xi32> to vector<16xf32>
      %and3A_300 = arith.constant -65536 : i32
      %and3A_301 = vector.broadcast %and3A_300 : i32 to vector<16xi32>
      %and3A_302 = arith.andi %gather3A_295, %and3A_301 : vector<16xi32>
      %bitcast3A_303 = vector.bitcast %and3A_302 : vector<16xi32> to vector<16xf32>
      %add3A_304 = arith.addf %add3A_288, %bitcast3A_299 : vector<16xf32>
      %add3A_305 = arith.addf %add3A_289, %bitcast3A_303 : vector<16xf32>
      scf.yield %add3A_304, %add3A_305 : vector<16xf32>, vector<16xf32>
    }
    %scan3A_79 = arith.constant 200 : i32
    %mul3A_80 = arith.constant 5.000000e-03 : f32
    %mul3A_81 = vector.broadcast %mul3A_80 : f32 to vector<16xf32>
    %mul3A_82 = arith.mulf %scan3A_78#0, %mul3A_81 : vector<16xf32>
    %swap3A_83 = arith.constant 0 : i32
    %swap3A_84 = arith.index_cast %swap3A_83 : i32 to index
    %swap3A_85 = arith.constant 48 : index
    %swap3A_86 = tpu.vector_load %arg7[%swap3A_84, %swap3A_85] {strides = array<i32>} : memref<2x128xf32, #tpu.memory_space<vmem>>, vector<16xf32>,
    tpu.vector_store %arg7[%swap3A_84, %swap3A_85], %mul3A_82 {strides = array<i32>} : memref<2x128xf32, #tpu.memory_space<vmem>>, vector<16xf32>,
    %mul3A_87 = arith.constant 5.000000e-03 : f32
    %mul3A_88 = vector.broadcast %mul3A_87 : f32 to vector<16xf32>
    %mul3A_89 = arith.mulf %scan3A_78#1, %mul3A_88 : vector<16xf32>
    %swap3A_90 = arith.constant 1 : i32
    %swap3A_91 = arith.index_cast %swap3A_90 : i32 to index
    %swap3A_92 = arith.constant 48 : index
    %swap3A_93 = tpu.vector_load %arg7[%swap3A_91, %swap3A_92] {strides = array<i32>} : memref<2x128xf32, #tpu.memory_space<vmem>>, vector<16xf32>,
    tpu.vector_store %arg7[%swap3A_91, %swap3A_92], %mul3A_89 {strides = array<i32>} : memref<2x128xf32, #tpu.memory_space<vmem>>, vector<16xf32>,
    %broadcast_in_dim3A_94 = arith.constant 0.000000e+00 : f32
    %broadcast_in_dim3A_95 = vector.broadcast %broadcast_in_dim3A_94 : f32 to vector<16xf32>
    %scan3A_96 = arith.constant 0 : i32
    %scan3A_97 = arith.constant 200 : i32
    %scan3A_98 = arith.addi %scan3A_96, %scan3A_97 : i32
    %scan3A_99 = arith.constant 8 : i32
    %scan3A_100:2 = scf.for %scan3A_182 = %scan3A_96 to %scan3A_98 step %scan3A_99 iter_args(%scan3A_183 = %broadcast_in_dim3A_95, %scan3A_184 = %broadcast_in_dim3A_95) -> (vector<16xf32>, vector<16xf32>)  : i32 {
      %get3A = arith.index_cast %scan3A_182 : i32 to index
      %get3A_185 = arith.constant 64 : index
      %get3A_186 = tpu.vector_load %arg6[%get3A, %get3A_185] {strides = array<i32>} : memref<200x128xi32, #tpu.memory_space<vmem>>, vector<16xi32>,
      %gather3A = tpu.vector_load_idx %arg5[%get3A_186] : memref<100000xi32, #tpu.memory_space<vmem>>[vector<16xi32>], vector<16xi32>,
      %shift_left3A = arith.constant 16 : i32
      %shift_left3A_187 = vector.broadcast %shift_left3A : i32 to vector<16xi32>
      %shift_left3A_188 = arith.shli %gather3A, %shift_left3A_187 : vector<16xi32>
      %bitcast3A = vector.bitcast %shift_left3A_188 : vector<16xi32> to vector<16xf32>
      %and3A = arith.constant -65536 : i32
      %and3A_189 = vector.broadcast %and3A : i32 to vector<16xi32>
      %and3A_190 = arith.andi %gather3A, %and3A_189 : vector<16xi32>
      %bitcast3A_191 = vector.bitcast %and3A_190 : vector<16xi32> to vector<16xf32>
      %add3A_192 = arith.addf %scan3A_183, %bitcast3A : vector<16xf32>
      %add3A_193 = arith.addf %scan3A_184, %bitcast3A_191 : vector<16xf32>
      %scan3A_194 = arith.constant 1 : i32
      %scan3A_195 = arith.addi %scan3A_182, %scan3A_194 : i32
      %get3A_196 = arith.index_cast %scan3A_195 : i32 to index
      %get3A_197 = arith.constant 64 : index
      %get3A_198 = tpu.vector_load %arg6[%get3A_196, %get3A_197] {strides = array<i32>} : memref<200x128xi32, #tpu.memory_space<vmem>>, vector<16xi32>,
      %gather3A_199 = tpu.vector_load_idx %arg5[%get3A_198] : memref<100000xi32, #tpu.memory_space<vmem>>[vector<16xi32>], vector<16xi32>,
      %shift_left3A_200 = arith.constant 16 : i32
      %shift_left3A_201 = vector.broadcast %shift_left3A_200 : i32 to vector<16xi32>
      %shift_left3A_202 = arith.shli %gather3A_199, %shift_left3A_201 : vector<16xi32>
      %bitcast3A_203 = vector.bitcast %shift_left3A_202 : vector<16xi32> to vector<16xf32>
      %and3A_204 = arith.constant -65536 : i32
      %and3A_205 = vector.broadcast %and3A_204 : i32 to vector<16xi32>
      %and3A_206 = arith.andi %gather3A_199, %and3A_205 : vector<16xi32>
      %bitcast3A_207 = vector.bitcast %and3A_206 : vector<16xi32> to vector<16xf32>
      %add3A_208 = arith.addf %add3A_192, %bitcast3A_203 : vector<16xf32>
      %add3A_209 = arith.addf %add3A_193, %bitcast3A_207 : vector<16xf32>
      %scan3A_210 = arith.constant 2 : i32
      %scan3A_211 = arith.addi %scan3A_182, %scan3A_210 : i32
      %get3A_212 = arith.index_cast %scan3A_211 : i32 to index
      %get3A_213 = arith.constant 64 : index
      %get3A_214 = tpu.vector_load %arg6[%get3A_212, %get3A_213] {strides = array<i32>} : memref<200x128xi32, #tpu.memory_space<vmem>>, vector<16xi32>,
      %gather3A_215 = tpu.vector_load_idx %arg5[%get3A_214] : memref<100000xi32, #tpu.memory_space<vmem>>[vector<16xi32>], vector<16xi32>,
      %shift_left3A_216 = arith.constant 16 : i32
      %shift_left3A_217 = vector.broadcast %shift_left3A_216 : i32 to vector<16xi32>
      %shift_left3A_218 = arith.shli %gather3A_215, %shift_left3A_217 : vector<16xi32>
      %bitcast3A_219 = vector.bitcast %shift_left3A_218 : vector<16xi32> to vector<16xf32>
      %and3A_220 = arith.constant -65536 : i32
      %and3A_221 = vector.broadcast %and3A_220 : i32 to vector<16xi32>
      %and3A_222 = arith.andi %gather3A_215, %and3A_221 : vector<16xi32>
      %bitcast3A_223 = vector.bitcast %and3A_222 : vector<16xi32> to vector<16xf32>
      %add3A_224 = arith.addf %add3A_208, %bitcast3A_219 : vector<16xf32>
      %add3A_225 = arith.addf %add3A_209, %bitcast3A_223 : vector<16xf32>
      %scan3A_226 = arith.constant 3 : i32
      %scan3A_227 = arith.addi %scan3A_182, %scan3A_226 : i32
      %get3A_228 = arith.index_cast %scan3A_227 : i32 to index
      %get3A_229 = arith.constant 64 : index
      %get3A_230 = tpu.vector_load %arg6[%get3A_228, %get3A_229] {strides = array<i32>} : memref<200x128xi32, #tpu.memory_space<vmem>>, vector<16xi32>,
      %gather3A_231 = tpu.vector_load_idx %arg5[%get3A_230] : memref<100000xi32, #tpu.memory_space<vmem>>[vector<16xi32>], vector<16xi32>,
      %shift_left3A_232 = arith.constant 16 : i32
      %shift_left3A_233 = vector.broadcast %shift_left3A_232 : i32 to vector<16xi32>
      %shift_left3A_234 = arith.shli %gather3A_231, %shift_left3A_233 : vector<16xi32>
      %bitcast3A_235 = vector.bitcast %shift_left3A_234 : vector<16xi32> to vector<16xf32>
      %and3A_236 = arith.constant -65536 : i32
      %and3A_237 = vector.broadcast %and3A_236 : i32 to vector<16xi32>
      %and3A_238 = arith.andi %gather3A_231, %and3A_237 : vector<16xi32>
      %bitcast3A_239 = vector.bitcast %and3A_238 : vector<16xi32> to vector<16xf32>
      %add3A_240 = arith.addf %add3A_224, %bitcast3A_235 : vector<16xf32>
      %add3A_241 = arith.addf %add3A_225, %bitcast3A_239 : vector<16xf32>
      %scan3A_242 = arith.constant 4 : i32
      %scan3A_243 = arith.addi %scan3A_182, %scan3A_242 : i32
      %get3A_244 = arith.index_cast %scan3A_243 : i32 to index
      %get3A_245 = arith.constant 64 : index
      %get3A_246 = tpu.vector_load %arg6[%get3A_244, %get3A_245] {strides = array<i32>} : memref<200x128xi32, #tpu.memory_space<vmem>>, vector<16xi32>,
      %gather3A_247 = tpu.vector_load_idx %arg5[%get3A_246] : memref<100000xi32, #tpu.memory_space<vmem>>[vector<16xi32>], vector<16xi32>,
      %shift_left3A_248 = arith.constant 16 : i32
      %shift_left3A_249 = vector.broadcast %shift_left3A_248 : i32 to vector<16xi32>
      %shift_left3A_250 = arith.shli %gather3A_247, %shift_left3A_249 : vector<16xi32>
      %bitcast3A_251 = vector.bitcast %shift_left3A_250 : vector<16xi32> to vector<16xf32>
      %and3A_252 = arith.constant -65536 : i32
      %and3A_253 = vector.broadcast %and3A_252 : i32 to vector<16xi32>
      %and3A_254 = arith.andi %gather3A_247, %and3A_253 : vector<16xi32>
      %bitcast3A_255 = vector.bitcast %and3A_254 : vector<16xi32> to vector<16xf32>
      %add3A_256 = arith.addf %add3A_240, %bitcast3A_251 : vector<16xf32>
      %add3A_257 = arith.addf %add3A_241, %bitcast3A_255 : vector<16xf32>
      %scan3A_258 = arith.constant 5 : i32
      %scan3A_259 = arith.addi %scan3A_182, %scan3A_258 : i32
      %get3A_260 = arith.index_cast %scan3A_259 : i32 to index
      %get3A_261 = arith.constant 64 : index
      %get3A_262 = tpu.vector_load %arg6[%get3A_260, %get3A_261] {strides = array<i32>} : memref<200x128xi32, #tpu.memory_space<vmem>>, vector<16xi32>,
      %gather3A_263 = tpu.vector_load_idx %arg5[%get3A_262] : memref<100000xi32, #tpu.memory_space<vmem>>[vector<16xi32>], vector<16xi32>,
      %shift_left3A_264 = arith.constant 16 : i32
      %shift_left3A_265 = vector.broadcast %shift_left3A_264 : i32 to vector<16xi32>
      %shift_left3A_266 = arith.shli %gather3A_263, %shift_left3A_265 : vector<16xi32>
      %bitcast3A_267 = vector.bitcast %shift_left3A_266 : vector<16xi32> to vector<16xf32>
      %and3A_268 = arith.constant -65536 : i32
      %and3A_269 = vector.broadcast %and3A_268 : i32 to vector<16xi32>
      %and3A_270 = arith.andi %gather3A_263, %and3A_269 : vector<16xi32>
      %bitcast3A_271 = vector.bitcast %and3A_270 : vector<16xi32> to vector<16xf32>
      %add3A_272 = arith.addf %add3A_256, %bitcast3A_267 : vector<16xf32>
      %add3A_273 = arith.addf %add3A_257, %bitcast3A_271 : vector<16xf32>
      %scan3A_274 = arith.constant 6 : i32
      %scan3A_275 = arith.addi %scan3A_182, %scan3A_274 : i32
      %get3A_276 = arith.index_cast %scan3A_275 : i32 to index
      %get3A_277 = arith.constant 64 : index
      %get3A_278 = tpu.vector_load %arg6[%get3A_276, %get3A_277] {strides = array<i32>} : memref<200x128xi32, #tpu.memory_space<vmem>>, vector<16xi32>,
      %gather3A_279 = tpu.vector_load_idx %arg5[%get3A_278] : memref<100000xi32, #tpu.memory_space<vmem>>[vector<16xi32>], vector<16xi32>,
      %shift_left3A_280 = arith.constant 16 : i32
      %shift_left3A_281 = vector.broadcast %shift_left3A_280 : i32 to vector<16xi32>
      %shift_left3A_282 = arith.shli %gather3A_279, %shift_left3A_281 : vector<16xi32>
      %bitcast3A_283 = vector.bitcast %shift_left3A_282 : vector<16xi32> to vector<16xf32>
      %and3A_284 = arith.constant -65536 : i32
      %and3A_285 = vector.broadcast %and3A_284 : i32 to vector<16xi32>
      %and3A_286 = arith.andi %gather3A_279, %and3A_285 : vector<16xi32>
      %bitcast3A_287 = vector.bitcast %and3A_286 : vector<16xi32> to vector<16xf32>
      %add3A_288 = arith.addf %add3A_272, %bitcast3A_283 : vector<16xf32>
      %add3A_289 = arith.addf %add3A_273, %bitcast3A_287 : vector<16xf32>
      %scan3A_290 = arith.constant 7 : i32
      %scan3A_291 = arith.addi %scan3A_182, %scan3A_290 : i32
      %get3A_292 = arith.index_cast %scan3A_291 : i32 to index
      %get3A_293 = arith.constant 64 : index
      %get3A_294 = tpu.vector_load %arg6[%get3A_292, %get3A_293] {strides = array<i32>} : memref<200x128xi32, #tpu.memory_space<vmem>>, vector<16xi32>,
      %gather3A_295 = tpu.vector_load_idx %arg5[%get3A_294] : memref<100000xi32, #tpu.memory_space<vmem>>[vector<16xi32>], vector<16xi32>,
      %shift_left3A_296 = arith.constant 16 : i32
      %shift_left3A_297 = vector.broadcast %shift_left3A_296 : i32 to vector<16xi32>
      %shift_left3A_298 = arith.shli %gather3A_295, %shift_left3A_297 : vector<16xi32>
      %bitcast3A_299 = vector.bitcast %shift_left3A_298 : vector<16xi32> to vector<16xf32>
      %and3A_300 = arith.constant -65536 : i32
      %and3A_301 = vector.broadcast %and3A_300 : i32 to vector<16xi32>
      %and3A_302 = arith.andi %gather3A_295, %and3A_301 : vector<16xi32>
      %bitcast3A_303 = vector.bitcast %and3A_302 : vector<16xi32> to vector<16xf32>
      %add3A_304 = arith.addf %add3A_288, %bitcast3A_299 : vector<16xf32>
      %add3A_305 = arith.addf %add3A_289, %bitcast3A_303 : vector<16xf32>
      scf.yield %add3A_304, %add3A_305 : vector<16xf32>, vector<16xf32>
    }
    %scan3A_101 = arith.constant 200 : i32
    %mul3A_102 = arith.constant 5.000000e-03 : f32
    %mul3A_103 = vector.broadcast %mul3A_102 : f32 to vector<16xf32>
    %mul3A_104 = arith.mulf %scan3A_100#0, %mul3A_103 : vector<16xf32>
    %swap3A_105 = arith.constant 0 : i32
    %swap3A_106 = arith.index_cast %swap3A_105 : i32 to index
    %swap3A_107 = arith.constant 64 : index
    %swap3A_108 = tpu.vector_load %arg7[%swap3A_106, %swap3A_107] {strides = array<i32>} : memref<2x128xf32, #tpu.memory_space<vmem>>, vector<16xf32>,
    tpu.vector_store %arg7[%swap3A_106, %swap3A_107], %mul3A_104 {strides = array<i32>} : memref<2x128xf32, #tpu.memory_space<vmem>>, vector<16xf32>,
    %mul3A_109 = arith.constant 5.000000e-03 : f32
    %mul3A_110 = vector.broadcast %mul3A_109 : f32 to vector<16xf32>
    %mul3A_111 = arith.mulf %scan3A_100#1, %mul3A_110 : vector<16xf32>
    %swap3A_112 = arith.constant 1 : i32
    %swap3A_113 = arith.index_cast %swap3A_112 : i32 to index
    %swap3A_114 = arith.constant 64 : index
    %swap3A_115 = tpu.vector_load %arg7[%swap3A_113, %swap3A_114] {strides = array<i32>} : memref<2x128xf32, #tpu.memory_space<vmem>>, vector<16xf32>,
    tpu.vector_store %arg7[%swap3A_113, %swap3A_114], %mul3A_111 {strides = array<i32>} : memref<2x128xf32, #tpu.memory_space<vmem>>, vector<16xf32>,
    %broadcast_in_dim3A_116 = arith.constant 0.000000e+00 : f32
    %broadcast_in_dim3A_117 = vector.broadcast %broadcast_in_dim3A_116 : f32 to vector<16xf32>
    %scan3A_118 = arith.constant 0 : i32
    %scan3A_119 = arith.constant 200 : i32
    %scan3A_120 = arith.addi %scan3A_118, %scan3A_119 : i32
    %scan3A_121 = arith.constant 8 : i32
    %scan3A_122:2 = scf.for %scan3A_182 = %scan3A_118 to %scan3A_120 step %scan3A_121 iter_args(%scan3A_183 = %broadcast_in_dim3A_117, %scan3A_184 = %broadcast_in_dim3A_117) -> (vector<16xf32>, vector<16xf32>)  : i32 {
      %get3A = arith.index_cast %scan3A_182 : i32 to index
      %get3A_185 = arith.constant 80 : index
      %get3A_186 = tpu.vector_load %arg6[%get3A, %get3A_185] {strides = array<i32>} : memref<200x128xi32, #tpu.memory_space<vmem>>, vector<16xi32>,
      %gather3A = tpu.vector_load_idx %arg5[%get3A_186] : memref<100000xi32, #tpu.memory_space<vmem>>[vector<16xi32>], vector<16xi32>,
      %shift_left3A = arith.constant 16 : i32
      %shift_left3A_187 = vector.broadcast %shift_left3A : i32 to vector<16xi32>
      %shift_left3A_188 = arith.shli %gather3A, %shift_left3A_187 : vector<16xi32>
      %bitcast3A = vector.bitcast %shift_left3A_188 : vector<16xi32> to vector<16xf32>
      %and3A = arith.constant -65536 : i32
      %and3A_189 = vector.broadcast %and3A : i32 to vector<16xi32>
      %and3A_190 = arith.andi %gather3A, %and3A_189 : vector<16xi32>
      %bitcast3A_191 = vector.bitcast %and3A_190 : vector<16xi32> to vector<16xf32>
      %add3A_192 = arith.addf %scan3A_183, %bitcast3A : vector<16xf32>
      %add3A_193 = arith.addf %scan3A_184, %bitcast3A_191 : vector<16xf32>
      %scan3A_194 = arith.constant 1 : i32
      %scan3A_195 = arith.addi %scan3A_182, %scan3A_194 : i32
      %get3A_196 = arith.index_cast %scan3A_195 : i32 to index
      %get3A_197 = arith.constant 80 : index
      %get3A_198 = tpu.vector_load %arg6[%get3A_196, %get3A_197] {strides = array<i32>} : memref<200x128xi32, #tpu.memory_space<vmem>>, vector<16xi32>,
      %gather3A_199 = tpu.vector_load_idx %arg5[%get3A_198] : memref<100000xi32, #tpu.memory_space<vmem>>[vector<16xi32>], vector<16xi32>,
      %shift_left3A_200 = arith.constant 16 : i32
      %shift_left3A_201 = vector.broadcast %shift_left3A_200 : i32 to vector<16xi32>
      %shift_left3A_202 = arith.shli %gather3A_199, %shift_left3A_201 : vector<16xi32>
      %bitcast3A_203 = vector.bitcast %shift_left3A_202 : vector<16xi32> to vector<16xf32>
      %and3A_204 = arith.constant -65536 : i32
      %and3A_205 = vector.broadcast %and3A_204 : i32 to vector<16xi32>
      %and3A_206 = arith.andi %gather3A_199, %and3A_205 : vector<16xi32>
      %bitcast3A_207 = vector.bitcast %and3A_206 : vector<16xi32> to vector<16xf32>
      %add3A_208 = arith.addf %add3A_192, %bitcast3A_203 : vector<16xf32>
      %add3A_209 = arith.addf %add3A_193, %bitcast3A_207 : vector<16xf32>
      %scan3A_210 = arith.constant 2 : i32
      %scan3A_211 = arith.addi %scan3A_182, %scan3A_210 : i32
      %get3A_212 = arith.index_cast %scan3A_211 : i32 to index
      %get3A_213 = arith.constant 80 : index
      %get3A_214 = tpu.vector_load %arg6[%get3A_212, %get3A_213] {strides = array<i32>} : memref<200x128xi32, #tpu.memory_space<vmem>>, vector<16xi32>,
      %gather3A_215 = tpu.vector_load_idx %arg5[%get3A_214] : memref<100000xi32, #tpu.memory_space<vmem>>[vector<16xi32>], vector<16xi32>,
      %shift_left3A_216 = arith.constant 16 : i32
      %shift_left3A_217 = vector.broadcast %shift_left3A_216 : i32 to vector<16xi32>
      %shift_left3A_218 = arith.shli %gather3A_215, %shift_left3A_217 : vector<16xi32>
      %bitcast3A_219 = vector.bitcast %shift_left3A_218 : vector<16xi32> to vector<16xf32>
      %and3A_220 = arith.constant -65536 : i32
      %and3A_221 = vector.broadcast %and3A_220 : i32 to vector<16xi32>
      %and3A_222 = arith.andi %gather3A_215, %and3A_221 : vector<16xi32>
      %bitcast3A_223 = vector.bitcast %and3A_222 : vector<16xi32> to vector<16xf32>
      %add3A_224 = arith.addf %add3A_208, %bitcast3A_219 : vector<16xf32>
      %add3A_225 = arith.addf %add3A_209, %bitcast3A_223 : vector<16xf32>
      %scan3A_226 = arith.constant 3 : i32
      %scan3A_227 = arith.addi %scan3A_182, %scan3A_226 : i32
      %get3A_228 = arith.index_cast %scan3A_227 : i32 to index
      %get3A_229 = arith.constant 80 : index
      %get3A_230 = tpu.vector_load %arg6[%get3A_228, %get3A_229] {strides = array<i32>} : memref<200x128xi32, #tpu.memory_space<vmem>>, vector<16xi32>,
      %gather3A_231 = tpu.vector_load_idx %arg5[%get3A_230] : memref<100000xi32, #tpu.memory_space<vmem>>[vector<16xi32>], vector<16xi32>,
      %shift_left3A_232 = arith.constant 16 : i32
      %shift_left3A_233 = vector.broadcast %shift_left3A_232 : i32 to vector<16xi32>
      %shift_left3A_234 = arith.shli %gather3A_231, %shift_left3A_233 : vector<16xi32>
      %bitcast3A_235 = vector.bitcast %shift_left3A_234 : vector<16xi32> to vector<16xf32>
      %and3A_236 = arith.constant -65536 : i32
      %and3A_237 = vector.broadcast %and3A_236 : i32 to vector<16xi32>
      %and3A_238 = arith.andi %gather3A_231, %and3A_237 : vector<16xi32>
      %bitcast3A_239 = vector.bitcast %and3A_238 : vector<16xi32> to vector<16xf32>
      %add3A_240 = arith.addf %add3A_224, %bitcast3A_235 : vector<16xf32>
      %add3A_241 = arith.addf %add3A_225, %bitcast3A_239 : vector<16xf32>
      %scan3A_242 = arith.constant 4 : i32
      %scan3A_243 = arith.addi %scan3A_182, %scan3A_242 : i32
      %get3A_244 = arith.index_cast %scan3A_243 : i32 to index
      %get3A_245 = arith.constant 80 : index
      %get3A_246 = tpu.vector_load %arg6[%get3A_244, %get3A_245] {strides = array<i32>} : memref<200x128xi32, #tpu.memory_space<vmem>>, vector<16xi32>,
      %gather3A_247 = tpu.vector_load_idx %arg5[%get3A_246] : memref<100000xi32, #tpu.memory_space<vmem>>[vector<16xi32>], vector<16xi32>,
      %shift_left3A_248 = arith.constant 16 : i32
      %shift_left3A_249 = vector.broadcast %shift_left3A_248 : i32 to vector<16xi32>
      %shift_left3A_250 = arith.shli %gather3A_247, %shift_left3A_249 : vector<16xi32>
      %bitcast3A_251 = vector.bitcast %shift_left3A_250 : vector<16xi32> to vector<16xf32>
      %and3A_252 = arith.constant -65536 : i32
      %and3A_253 = vector.broadcast %and3A_252 : i32 to vector<16xi32>
      %and3A_254 = arith.andi %gather3A_247, %and3A_253 : vector<16xi32>
      %bitcast3A_255 = vector.bitcast %and3A_254 : vector<16xi32> to vector<16xf32>
      %add3A_256 = arith.addf %add3A_240, %bitcast3A_251 : vector<16xf32>
      %add3A_257 = arith.addf %add3A_241, %bitcast3A_255 : vector<16xf32>
      %scan3A_258 = arith.constant 5 : i32
      %scan3A_259 = arith.addi %scan3A_182, %scan3A_258 : i32
      %get3A_260 = arith.index_cast %scan3A_259 : i32 to index
      %get3A_261 = arith.constant 80 : index
      %get3A_262 = tpu.vector_load %arg6[%get3A_260, %get3A_261] {strides = array<i32>} : memref<200x128xi32, #tpu.memory_space<vmem>>, vector<16xi32>,
      %gather3A_263 = tpu.vector_load_idx %arg5[%get3A_262] : memref<100000xi32, #tpu.memory_space<vmem>>[vector<16xi32>], vector<16xi32>,
      %shift_left3A_264 = arith.constant 16 : i32
      %shift_left3A_265 = vector.broadcast %shift_left3A_264 : i32 to vector<16xi32>
      %shift_left3A_266 = arith.shli %gather3A_263, %shift_left3A_265 : vector<16xi32>
      %bitcast3A_267 = vector.bitcast %shift_left3A_266 : vector<16xi32> to vector<16xf32>
      %and3A_268 = arith.constant -65536 : i32
      %and3A_269 = vector.broadcast %and3A_268 : i32 to vector<16xi32>
      %and3A_270 = arith.andi %gather3A_263, %and3A_269 : vector<16xi32>
      %bitcast3A_271 = vector.bitcast %and3A_270 : vector<16xi32> to vector<16xf32>
      %add3A_272 = arith.addf %add3A_256, %bitcast3A_267 : vector<16xf32>
      %add3A_273 = arith.addf %add3A_257, %bitcast3A_271 : vector<16xf32>
      %scan3A_274 = arith.constant 6 : i32
      %scan3A_275 = arith.addi %scan3A_182, %scan3A_274 : i32
      %get3A_276 = arith.index_cast %scan3A_275 : i32 to index
      %get3A_277 = arith.constant 80 : index
      %get3A_278 = tpu.vector_load %arg6[%get3A_276, %get3A_277] {strides = array<i32>} : memref<200x128xi32, #tpu.memory_space<vmem>>, vector<16xi32>,
      %gather3A_279 = tpu.vector_load_idx %arg5[%get3A_278] : memref<100000xi32, #tpu.memory_space<vmem>>[vector<16xi32>], vector<16xi32>,
      %shift_left3A_280 = arith.constant 16 : i32
      %shift_left3A_281 = vector.broadcast %shift_left3A_280 : i32 to vector<16xi32>
      %shift_left3A_282 = arith.shli %gather3A_279, %shift_left3A_281 : vector<16xi32>
      %bitcast3A_283 = vector.bitcast %shift_left3A_282 : vector<16xi32> to vector<16xf32>
      %and3A_284 = arith.constant -65536 : i32
      %and3A_285 = vector.broadcast %and3A_284 : i32 to vector<16xi32>
      %and3A_286 = arith.andi %gather3A_279, %and3A_285 : vector<16xi32>
      %bitcast3A_287 = vector.bitcast %and3A_286 : vector<16xi32> to vector<16xf32>
      %add3A_288 = arith.addf %add3A_272, %bitcast3A_283 : vector<16xf32>
      %add3A_289 = arith.addf %add3A_273, %bitcast3A_287 : vector<16xf32>
      %scan3A_290 = arith.constant 7 : i32
      %scan3A_291 = arith.addi %scan3A_182, %scan3A_290 : i32
      %get3A_292 = arith.index_cast %scan3A_291 : i32 to index
      %get3A_293 = arith.constant 80 : index
      %get3A_294 = tpu.vector_load %arg6[%get3A_292, %get3A_293] {strides = array<i32>} : memref<200x128xi32, #tpu.memory_space<vmem>>, vector<16xi32>,
      %gather3A_295 = tpu.vector_load_idx %arg5[%get3A_294] : memref<100000xi32, #tpu.memory_space<vmem>>[vector<16xi32>], vector<16xi32>,
      %shift_left3A_296 = arith.constant 16 : i32
      %shift_left3A_297 = vector.broadcast %shift_left3A_296 : i32 to vector<16xi32>
      %shift_left3A_298 = arith.shli %gather3A_295, %shift_left3A_297 : vector<16xi32>
      %bitcast3A_299 = vector.bitcast %shift_left3A_298 : vector<16xi32> to vector<16xf32>
      %and3A_300 = arith.constant -65536 : i32
      %and3A_301 = vector.broadcast %and3A_300 : i32 to vector<16xi32>
      %and3A_302 = arith.andi %gather3A_295, %and3A_301 : vector<16xi32>
      %bitcast3A_303 = vector.bitcast %and3A_302 : vector<16xi32> to vector<16xf32>
      %add3A_304 = arith.addf %add3A_288, %bitcast3A_299 : vector<16xf32>
      %add3A_305 = arith.addf %add3A_289, %bitcast3A_303 : vector<16xf32>
      scf.yield %add3A_304, %add3A_305 : vector<16xf32>, vector<16xf32>
    }
    %scan3A_123 = arith.constant 200 : i32
    %mul3A_124 = arith.constant 5.000000e-03 : f32
    %mul3A_125 = vector.broadcast %mul3A_124 : f32 to vector<16xf32>
    %mul3A_126 = arith.mulf %scan3A_122#0, %mul3A_125 : vector<16xf32>
    %swap3A_127 = arith.constant 0 : i32
    %swap3A_128 = arith.index_cast %swap3A_127 : i32 to index
    %swap3A_129 = arith.constant 80 : index
    %swap3A_130 = tpu.vector_load %arg7[%swap3A_128, %swap3A_129] {strides = array<i32>} : memref<2x128xf32, #tpu.memory_space<vmem>>, vector<16xf32>,
    tpu.vector_store %arg7[%swap3A_128, %swap3A_129], %mul3A_126 {strides = array<i32>} : memref<2x128xf32, #tpu.memory_space<vmem>>, vector<16xf32>,
    %mul3A_131 = arith.constant 5.000000e-03 : f32
    %mul3A_132 = vector.broadcast %mul3A_131 : f32 to vector<16xf32>
    %mul3A_133 = arith.mulf %scan3A_122#1, %mul3A_132 : vector<16xf32>
    %swap3A_134 = arith.constant 1 : i32
    %swap3A_135 = arith.index_cast %swap3A_134 : i32 to index
    %swap3A_136 = arith.constant 80 : index
    %swap3A_137 = tpu.vector_load %arg7[%swap3A_135, %swap3A_136] {strides = array<i32>} : memref<2x128xf32, #tpu.memory_space<vmem>>, vector<16xf32>,
    tpu.vector_store %arg7[%swap3A_135, %swap3A_136], %mul3A_133 {strides = array<i32>} : memref<2x128xf32, #tpu.memory_space<vmem>>, vector<16xf32>,
    %broadcast_in_dim3A_138 = arith.constant 0.000000e+00 : f32
    %broadcast_in_dim3A_139 = vector.broadcast %broadcast_in_dim3A_138 : f32 to vector<16xf32>
    %scan3A_140 = arith.constant 0 : i32
    %scan3A_141 = arith.constant 200 : i32
    %scan3A_142 = arith.addi %scan3A_140, %scan3A_141 : i32
    %scan3A_143 = arith.constant 8 : i32
    %scan3A_144:2 = scf.for %scan3A_182 = %scan3A_140 to %scan3A_142 step %scan3A_143 iter_args(%scan3A_183 = %broadcast_in_dim3A_139, %scan3A_184 = %broadcast_in_dim3A_139) -> (vector<16xf32>, vector<16xf32>)  : i32 {
      %get3A = arith.index_cast %scan3A_182 : i32 to index
      %get3A_185 = arith.constant 96 : index
      %get3A_186 = tpu.vector_load %arg6[%get3A, %get3A_185] {strides = array<i32>} : memref<200x128xi32, #tpu.memory_space<vmem>>, vector<16xi32>,
      %gather3A = tpu.vector_load_idx %arg5[%get3A_186] : memref<100000xi32, #tpu.memory_space<vmem>>[vector<16xi32>], vector<16xi32>,
      %shift_left3A = arith.constant 16 : i32
      %shift_left3A_187 = vector.broadcast %shift_left3A : i32 to vector<16xi32>
      %shift_left3A_188 = arith.shli %gather3A, %shift_left3A_187 : vector<16xi32>
      %bitcast3A = vector.bitcast %shift_left3A_188 : vector<16xi32> to vector<16xf32>
      %and3A = arith.constant -65536 : i32
      %and3A_189 = vector.broadcast %and3A : i32 to vector<16xi32>
      %and3A_190 = arith.andi %gather3A, %and3A_189 : vector<16xi32>
      %bitcast3A_191 = vector.bitcast %and3A_190 : vector<16xi32> to vector<16xf32>
      %add3A_192 = arith.addf %scan3A_183, %bitcast3A : vector<16xf32>
      %add3A_193 = arith.addf %scan3A_184, %bitcast3A_191 : vector<16xf32>
      %scan3A_194 = arith.constant 1 : i32
      %scan3A_195 = arith.addi %scan3A_182, %scan3A_194 : i32
      %get3A_196 = arith.index_cast %scan3A_195 : i32 to index
      %get3A_197 = arith.constant 96 : index
      %get3A_198 = tpu.vector_load %arg6[%get3A_196, %get3A_197] {strides = array<i32>} : memref<200x128xi32, #tpu.memory_space<vmem>>, vector<16xi32>,
      %gather3A_199 = tpu.vector_load_idx %arg5[%get3A_198] : memref<100000xi32, #tpu.memory_space<vmem>>[vector<16xi32>], vector<16xi32>,
      %shift_left3A_200 = arith.constant 16 : i32
      %shift_left3A_201 = vector.broadcast %shift_left3A_200 : i32 to vector<16xi32>
      %shift_left3A_202 = arith.shli %gather3A_199, %shift_left3A_201 : vector<16xi32>
      %bitcast3A_203 = vector.bitcast %shift_left3A_202 : vector<16xi32> to vector<16xf32>
      %and3A_204 = arith.constant -65536 : i32
      %and3A_205 = vector.broadcast %and3A_204 : i32 to vector<16xi32>
      %and3A_206 = arith.andi %gather3A_199, %and3A_205 : vector<16xi32>
      %bitcast3A_207 = vector.bitcast %and3A_206 : vector<16xi32> to vector<16xf32>
      %add3A_208 = arith.addf %add3A_192, %bitcast3A_203 : vector<16xf32>
      %add3A_209 = arith.addf %add3A_193, %bitcast3A_207 : vector<16xf32>
      %scan3A_210 = arith.constant 2 : i32
      %scan3A_211 = arith.addi %scan3A_182, %scan3A_210 : i32
      %get3A_212 = arith.index_cast %scan3A_211 : i32 to index
      %get3A_213 = arith.constant 96 : index
      %get3A_214 = tpu.vector_load %arg6[%get3A_212, %get3A_213] {strides = array<i32>} : memref<200x128xi32, #tpu.memory_space<vmem>>, vector<16xi32>,
      %gather3A_215 = tpu.vector_load_idx %arg5[%get3A_214] : memref<100000xi32, #tpu.memory_space<vmem>>[vector<16xi32>], vector<16xi32>,
      %shift_left3A_216 = arith.constant 16 : i32
      %shift_left3A_217 = vector.broadcast %shift_left3A_216 : i32 to vector<16xi32>
      %shift_left3A_218 = arith.shli %gather3A_215, %shift_left3A_217 : vector<16xi32>
      %bitcast3A_219 = vector.bitcast %shift_left3A_218 : vector<16xi32> to vector<16xf32>
      %and3A_220 = arith.constant -65536 : i32
      %and3A_221 = vector.broadcast %and3A_220 : i32 to vector<16xi32>
      %and3A_222 = arith.andi %gather3A_215, %and3A_221 : vector<16xi32>
      %bitcast3A_223 = vector.bitcast %and3A_222 : vector<16xi32> to vector<16xf32>
      %add3A_224 = arith.addf %add3A_208, %bitcast3A_219 : vector<16xf32>
      %add3A_225 = arith.addf %add3A_209, %bitcast3A_223 : vector<16xf32>
      %scan3A_226 = arith.constant 3 : i32
      %scan3A_227 = arith.addi %scan3A_182, %scan3A_226 : i32
      %get3A_228 = arith.index_cast %scan3A_227 : i32 to index
      %get3A_229 = arith.constant 96 : index
      %get3A_230 = tpu.vector_load %arg6[%get3A_228, %get3A_229] {strides = array<i32>} : memref<200x128xi32, #tpu.memory_space<vmem>>, vector<16xi32>,
      %gather3A_231 = tpu.vector_load_idx %arg5[%get3A_230] : memref<100000xi32, #tpu.memory_space<vmem>>[vector<16xi32>], vector<16xi32>,
      %shift_left3A_232 = arith.constant 16 : i32
      %shift_left3A_233 = vector.broadcast %shift_left3A_232 : i32 to vector<16xi32>
      %shift_left3A_234 = arith.shli %gather3A_231, %shift_left3A_233 : vector<16xi32>
      %bitcast3A_235 = vector.bitcast %shift_left3A_234 : vector<16xi32> to vector<16xf32>
      %and3A_236 = arith.constant -65536 : i32
      %and3A_237 = vector.broadcast %and3A_236 : i32 to vector<16xi32>
      %and3A_238 = arith.andi %gather3A_231, %and3A_237 : vector<16xi32>
      %bitcast3A_239 = vector.bitcast %and3A_238 : vector<16xi32> to vector<16xf32>
      %add3A_240 = arith.addf %add3A_224, %bitcast3A_235 : vector<16xf32>
      %add3A_241 = arith.addf %add3A_225, %bitcast3A_239 : vector<16xf32>
      %scan3A_242 = arith.constant 4 : i32
      %scan3A_243 = arith.addi %scan3A_182, %scan3A_242 : i32
      %get3A_244 = arith.index_cast %scan3A_243 : i32 to index
      %get3A_245 = arith.constant 96 : index
      %get3A_246 = tpu.vector_load %arg6[%get3A_244, %get3A_245] {strides = array<i32>} : memref<200x128xi32, #tpu.memory_space<vmem>>, vector<16xi32>,
      %gather3A_247 = tpu.vector_load_idx %arg5[%get3A_246] : memref<100000xi32, #tpu.memory_space<vmem>>[vector<16xi32>], vector<16xi32>,
      %shift_left3A_248 = arith.constant 16 : i32
      %shift_left3A_249 = vector.broadcast %shift_left3A_248 : i32 to vector<16xi32>
      %shift_left3A_250 = arith.shli %gather3A_247, %shift_left3A_249 : vector<16xi32>
      %bitcast3A_251 = vector.bitcast %shift_left3A_250 : vector<16xi32> to vector<16xf32>
      %and3A_252 = arith.constant -65536 : i32
      %and3A_253 = vector.broadcast %and3A_252 : i32 to vector<16xi32>
      %and3A_254 = arith.andi %gather3A_247, %and3A_253 : vector<16xi32>
      %bitcast3A_255 = vector.bitcast %and3A_254 : vector<16xi32> to vector<16xf32>
      %add3A_256 = arith.addf %add3A_240, %bitcast3A_251 : vector<16xf32>
      %add3A_257 = arith.addf %add3A_241, %bitcast3A_255 : vector<16xf32>
      %scan3A_258 = arith.constant 5 : i32
      %scan3A_259 = arith.addi %scan3A_182, %scan3A_258 : i32
      %get3A_260 = arith.index_cast %scan3A_259 : i32 to index
      %get3A_261 = arith.constant 96 : index
      %get3A_262 = tpu.vector_load %arg6[%get3A_260, %get3A_261] {strides = array<i32>} : memref<200x128xi32, #tpu.memory_space<vmem>>, vector<16xi32>,
      %gather3A_263 = tpu.vector_load_idx %arg5[%get3A_262] : memref<100000xi32, #tpu.memory_space<vmem>>[vector<16xi32>], vector<16xi32>,
      %shift_left3A_264 = arith.constant 16 : i32
      %shift_left3A_265 = vector.broadcast %shift_left3A_264 : i32 to vector<16xi32>
      %shift_left3A_266 = arith.shli %gather3A_263, %shift_left3A_265 : vector<16xi32>
      %bitcast3A_267 = vector.bitcast %shift_left3A_266 : vector<16xi32> to vector<16xf32>
      %and3A_268 = arith.constant -65536 : i32
      %and3A_269 = vector.broadcast %and3A_268 : i32 to vector<16xi32>
      %and3A_270 = arith.andi %gather3A_263, %and3A_269 : vector<16xi32>
      %bitcast3A_271 = vector.bitcast %and3A_270 : vector<16xi32> to vector<16xf32>
      %add3A_272 = arith.addf %add3A_256, %bitcast3A_267 : vector<16xf32>
      %add3A_273 = arith.addf %add3A_257, %bitcast3A_271 : vector<16xf32>
      %scan3A_274 = arith.constant 6 : i32
      %scan3A_275 = arith.addi %scan3A_182, %scan3A_274 : i32
      %get3A_276 = arith.index_cast %scan3A_275 : i32 to index
      %get3A_277 = arith.constant 96 : index
      %get3A_278 = tpu.vector_load %arg6[%get3A_276, %get3A_277] {strides = array<i32>} : memref<200x128xi32, #tpu.memory_space<vmem>>, vector<16xi32>,
      %gather3A_279 = tpu.vector_load_idx %arg5[%get3A_278] : memref<100000xi32, #tpu.memory_space<vmem>>[vector<16xi32>], vector<16xi32>,
      %shift_left3A_280 = arith.constant 16 : i32
      %shift_left3A_281 = vector.broadcast %shift_left3A_280 : i32 to vector<16xi32>
      %shift_left3A_282 = arith.shli %gather3A_279, %shift_left3A_281 : vector<16xi32>
      %bitcast3A_283 = vector.bitcast %shift_left3A_282 : vector<16xi32> to vector<16xf32>
      %and3A_284 = arith.constant -65536 : i32
      %and3A_285 = vector.broadcast %and3A_284 : i32 to vector<16xi32>
      %and3A_286 = arith.andi %gather3A_279, %and3A_285 : vector<16xi32>
      %bitcast3A_287 = vector.bitcast %and3A_286 : vector<16xi32> to vector<16xf32>
      %add3A_288 = arith.addf %add3A_272, %bitcast3A_283 : vector<16xf32>
      %add3A_289 = arith.addf %add3A_273, %bitcast3A_287 : vector<16xf32>
      %scan3A_290 = arith.constant 7 : i32
      %scan3A_291 = arith.addi %scan3A_182, %scan3A_290 : i32
      %get3A_292 = arith.index_cast %scan3A_291 : i32 to index
      %get3A_293 = arith.constant 96 : index
      %get3A_294 = tpu.vector_load %arg6[%get3A_292, %get3A_293] {strides = array<i32>} : memref<200x128xi32, #tpu.memory_space<vmem>>, vector<16xi32>,
      %gather3A_295 = tpu.vector_load_idx %arg5[%get3A_294] : memref<100000xi32, #tpu.memory_space<vmem>>[vector<16xi32>], vector<16xi32>,
      %shift_left3A_296 = arith.constant 16 : i32
      %shift_left3A_297 = vector.broadcast %shift_left3A_296 : i32 to vector<16xi32>
      %shift_left3A_298 = arith.shli %gather3A_295, %shift_left3A_297 : vector<16xi32>
      %bitcast3A_299 = vector.bitcast %shift_left3A_298 : vector<16xi32> to vector<16xf32>
      %and3A_300 = arith.constant -65536 : i32
      %and3A_301 = vector.broadcast %and3A_300 : i32 to vector<16xi32>
      %and3A_302 = arith.andi %gather3A_295, %and3A_301 : vector<16xi32>
      %bitcast3A_303 = vector.bitcast %and3A_302 : vector<16xi32> to vector<16xf32>
      %add3A_304 = arith.addf %add3A_288, %bitcast3A_299 : vector<16xf32>
      %add3A_305 = arith.addf %add3A_289, %bitcast3A_303 : vector<16xf32>
      scf.yield %add3A_304, %add3A_305 : vector<16xf32>, vector<16xf32>
    }
    %scan3A_145 = arith.constant 200 : i32
    %mul3A_146 = arith.constant 5.000000e-03 : f32
    %mul3A_147 = vector.broadcast %mul3A_146 : f32 to vector<16xf32>
    %mul3A_148 = arith.mulf %scan3A_144#0, %mul3A_147 : vector<16xf32>
    %swap3A_149 = arith.constant 0 : i32
    %swap3A_150 = arith.index_cast %swap3A_149 : i32 to index
    %swap3A_151 = arith.constant 96 : index
    %swap3A_152 = tpu.vector_load %arg7[%swap3A_150, %swap3A_151] {strides = array<i32>} : memref<2x128xf32, #tpu.memory_space<vmem>>, vector<16xf32>,
    tpu.vector_store %arg7[%swap3A_150, %swap3A_151], %mul3A_148 {strides = array<i32>} : memref<2x128xf32, #tpu.memory_space<vmem>>, vector<16xf32>,
    %mul3A_153 = arith.constant 5.000000e-03 : f32
    %mul3A_154 = vector.broadcast %mul3A_153 : f32 to vector<16xf32>
    %mul3A_155 = arith.mulf %scan3A_144#1, %mul3A_154 : vector<16xf32>
    %swap3A_156 = arith.constant 1 : i32
    %swap3A_157 = arith.index_cast %swap3A_156 : i32 to index
    %swap3A_158 = arith.constant 96 : index
    %swap3A_159 = tpu.vector_load %arg7[%swap3A_157, %swap3A_158] {strides = array<i32>} : memref<2x128xf32, #tpu.memory_space<vmem>>, vector<16xf32>,
    tpu.vector_store %arg7[%swap3A_157, %swap3A_158], %mul3A_155 {strides = array<i32>} : memref<2x128xf32, #tpu.memory_space<vmem>>, vector<16xf32>,
    %broadcast_in_dim3A_160 = arith.constant 0.000000e+00 : f32
    %broadcast_in_dim3A_161 = vector.broadcast %broadcast_in_dim3A_160 : f32 to vector<16xf32>
    %scan3A_162 = arith.constant 0 : i32
    %scan3A_163 = arith.constant 200 : i32
    %scan3A_164 = arith.addi %scan3A_162, %scan3A_163 : i32
    %scan3A_165 = arith.constant 8 : i32
    %scan3A_166:2 = scf.for %scan3A_182 = %scan3A_162 to %scan3A_164 step %scan3A_165 iter_args(%scan3A_183 = %broadcast_in_dim3A_161, %scan3A_184 = %broadcast_in_dim3A_161) -> (vector<16xf32>, vector<16xf32>)  : i32 {
      %get3A = arith.index_cast %scan3A_182 : i32 to index
      %get3A_185 = arith.constant 112 : index
      %get3A_186 = tpu.vector_load %arg6[%get3A, %get3A_185] {strides = array<i32>} : memref<200x128xi32, #tpu.memory_space<vmem>>, vector<16xi32>,
      %gather3A = tpu.vector_load_idx %arg5[%get3A_186] : memref<100000xi32, #tpu.memory_space<vmem>>[vector<16xi32>], vector<16xi32>,
      %shift_left3A = arith.constant 16 : i32
      %shift_left3A_187 = vector.broadcast %shift_left3A : i32 to vector<16xi32>
      %shift_left3A_188 = arith.shli %gather3A, %shift_left3A_187 : vector<16xi32>
      %bitcast3A = vector.bitcast %shift_left3A_188 : vector<16xi32> to vector<16xf32>
      %and3A = arith.constant -65536 : i32
      %and3A_189 = vector.broadcast %and3A : i32 to vector<16xi32>
      %and3A_190 = arith.andi %gather3A, %and3A_189 : vector<16xi32>
      %bitcast3A_191 = vector.bitcast %and3A_190 : vector<16xi32> to vector<16xf32>
      %add3A_192 = arith.addf %scan3A_183, %bitcast3A : vector<16xf32>
      %add3A_193 = arith.addf %scan3A_184, %bitcast3A_191 : vector<16xf32>
      %scan3A_194 = arith.constant 1 : i32
      %scan3A_195 = arith.addi %scan3A_182, %scan3A_194 : i32
      %get3A_196 = arith.index_cast %scan3A_195 : i32 to index
      %get3A_197 = arith.constant 112 : index
      %get3A_198 = tpu.vector_load %arg6[%get3A_196, %get3A_197] {strides = array<i32>} : memref<200x128xi32, #tpu.memory_space<vmem>>, vector<16xi32>,
      %gather3A_199 = tpu.vector_load_idx %arg5[%get3A_198] : memref<100000xi32, #tpu.memory_space<vmem>>[vector<16xi32>], vector<16xi32>,
      %shift_left3A_200 = arith.constant 16 : i32
      %shift_left3A_201 = vector.broadcast %shift_left3A_200 : i32 to vector<16xi32>
      %shift_left3A_202 = arith.shli %gather3A_199, %shift_left3A_201 : vector<16xi32>
      %bitcast3A_203 = vector.bitcast %shift_left3A_202 : vector<16xi32> to vector<16xf32>
      %and3A_204 = arith.constant -65536 : i32
      %and3A_205 = vector.broadcast %and3A_204 : i32 to vector<16xi32>
      %and3A_206 = arith.andi %gather3A_199, %and3A_205 : vector<16xi32>
      %bitcast3A_207 = vector.bitcast %and3A_206 : vector<16xi32> to vector<16xf32>
      %add3A_208 = arith.addf %add3A_192, %bitcast3A_203 : vector<16xf32>
      %add3A_209 = arith.addf %add3A_193, %bitcast3A_207 : vector<16xf32>
      %scan3A_210 = arith.constant 2 : i32
      %scan3A_211 = arith.addi %scan3A_182, %scan3A_210 : i32
      %get3A_212 = arith.index_cast %scan3A_211 : i32 to index
      %get3A_213 = arith.constant 112 : index
      %get3A_214 = tpu.vector_load %arg6[%get3A_212, %get3A_213] {strides = array<i32>} : memref<200x128xi32, #tpu.memory_space<vmem>>, vector<16xi32>,
      %gather3A_215 = tpu.vector_load_idx %arg5[%get3A_214] : memref<100000xi32, #tpu.memory_space<vmem>>[vector<16xi32>], vector<16xi32>,
      %shift_left3A_216 = arith.constant 16 : i32
      %shift_left3A_217 = vector.broadcast %shift_left3A_216 : i32 to vector<16xi32>
      %shift_left3A_218 = arith.shli %gather3A_215, %shift_left3A_217 : vector<16xi32>
      %bitcast3A_219 = vector.bitcast %shift_left3A_218 : vector<16xi32> to vector<16xf32>
      %and3A_220 = arith.constant -65536 : i32
      %and3A_221 = vector.broadcast %and3A_220 : i32 to vector<16xi32>
      %and3A_222 = arith.andi %gather3A_215, %and3A_221 : vector<16xi32>
      %bitcast3A_223 = vector.bitcast %and3A_222 : vector<16xi32> to vector<16xf32>
      %add3A_224 = arith.addf %add3A_208, %bitcast3A_219 : vector<16xf32>
      %add3A_225 = arith.addf %add3A_209, %bitcast3A_223 : vector<16xf32>
      %scan3A_226 = arith.constant 3 : i32
      %scan3A_227 = arith.addi %scan3A_182, %scan3A_226 : i32
      %get3A_228 = arith.index_cast %scan3A_227 : i32 to index
      %get3A_229 = arith.constant 112 : index
      %get3A_230 = tpu.vector_load %arg6[%get3A_228, %get3A_229] {strides = array<i32>} : memref<200x128xi32, #tpu.memory_space<vmem>>, vector<16xi32>,
      %gather3A_231 = tpu.vector_load_idx %arg5[%get3A_230] : memref<100000xi32, #tpu.memory_space<vmem>>[vector<16xi32>], vector<16xi32>,
      %shift_left3A_232 = arith.constant 16 : i32
      %shift_left3A_233 = vector.broadcast %shift_left3A_232 : i32 to vector<16xi32>
      %shift_left3A_234 = arith.shli %gather3A_231, %shift_left3A_233 : vector<16xi32>
      %bitcast3A_235 = vector.bitcast %shift_left3A_234 : vector<16xi32> to vector<16xf32>
      %and3A_236 = arith.constant -65536 : i32
      %and3A_237 = vector.broadcast %and3A_236 : i32 to vector<16xi32>
      %and3A_238 = arith.andi %gather3A_231, %and3A_237 : vector<16xi32>
      %bitcast3A_239 = vector.bitcast %and3A_238 : vector<16xi32> to vector<16xf32>
      %add3A_240 = arith.addf %add3A_224, %bitcast3A_235 : vector<16xf32>
      %add3A_241 = arith.addf %add3A_225, %bitcast3A_239 : vector<16xf32>
      %scan3A_242 = arith.constant 4 : i32
      %scan3A_243 = arith.addi %scan3A_182, %scan3A_242 : i32
      %get3A_244 = arith.index_cast %scan3A_243 : i32 to index
      %get3A_245 = arith.constant 112 : index
      %get3A_246 = tpu.vector_load %arg6[%get3A_244, %get3A_245] {strides = array<i32>} : memref<200x128xi32, #tpu.memory_space<vmem>>, vector<16xi32>,
      %gather3A_247 = tpu.vector_load_idx %arg5[%get3A_246] : memref<100000xi32, #tpu.memory_space<vmem>>[vector<16xi32>], vector<16xi32>,
      %shift_left3A_248 = arith.constant 16 : i32
      %shift_left3A_249 = vector.broadcast %shift_left3A_248 : i32 to vector<16xi32>
      %shift_left3A_250 = arith.shli %gather3A_247, %shift_left3A_249 : vector<16xi32>
      %bitcast3A_251 = vector.bitcast %shift_left3A_250 : vector<16xi32> to vector<16xf32>
      %and3A_252 = arith.constant -65536 : i32
      %and3A_253 = vector.broadcast %and3A_252 : i32 to vector<16xi32>
      %and3A_254 = arith.andi %gather3A_247, %and3A_253 : vector<16xi32>
      %bitcast3A_255 = vector.bitcast %and3A_254 : vector<16xi32> to vector<16xf32>
      %add3A_256 = arith.addf %add3A_240, %bitcast3A_251 : vector<16xf32>
      %add3A_257 = arith.addf %add3A_241, %bitcast3A_255 : vector<16xf32>
      %scan3A_258 = arith.constant 5 : i32
      %scan3A_259 = arith.addi %scan3A_182, %scan3A_258 : i32
      %get3A_260 = arith.index_cast %scan3A_259 : i32 to index
      %get3A_261 = arith.constant 112 : index
      %get3A_262 = tpu.vector_load %arg6[%get3A_260, %get3A_261] {strides = array<i32>} : memref<200x128xi32, #tpu.memory_space<vmem>>, vector<16xi32>,
      %gather3A_263 = tpu.vector_load_idx %arg5[%get3A_262] : memref<100000xi32, #tpu.memory_space<vmem>>[vector<16xi32>], vector<16xi32>,
      %shift_left3A_264 = arith.constant 16 : i32
      %shift_left3A_265 = vector.broadcast %shift_left3A_264 : i32 to vector<16xi32>
      %shift_left3A_266 = arith.shli %gather3A_263, %shift_left3A_265 : vector<16xi32>
      %bitcast3A_267 = vector.bitcast %shift_left3A_266 : vector<16xi32> to vector<16xf32>
      %and3A_268 = arith.constant -65536 : i32
      %and3A_269 = vector.broadcast %and3A_268 : i32 to vector<16xi32>
      %and3A_270 = arith.andi %gather3A_263, %and3A_269 : vector<16xi32>
      %bitcast3A_271 = vector.bitcast %and3A_270 : vector<16xi32> to vector<16xf32>
      %add3A_272 = arith.addf %add3A_256, %bitcast3A_267 : vector<16xf32>
      %add3A_273 = arith.addf %add3A_257, %bitcast3A_271 : vector<16xf32>
      %scan3A_274 = arith.constant 6 : i32
      %scan3A_275 = arith.addi %scan3A_182, %scan3A_274 : i32
      %get3A_276 = arith.index_cast %scan3A_275 : i32 to index
      %get3A_277 = arith.constant 112 : index
      %get3A_278 = tpu.vector_load %arg6[%get3A_276, %get3A_277] {strides = array<i32>} : memref<200x128xi32, #tpu.memory_space<vmem>>, vector<16xi32>,
      %gather3A_279 = tpu.vector_load_idx %arg5[%get3A_278] : memref<100000xi32, #tpu.memory_space<vmem>>[vector<16xi32>], vector<16xi32>,
      %shift_left3A_280 = arith.constant 16 : i32
      %shift_left3A_281 = vector.broadcast %shift_left3A_280 : i32 to vector<16xi32>
      %shift_left3A_282 = arith.shli %gather3A_279, %shift_left3A_281 : vector<16xi32>
      %bitcast3A_283 = vector.bitcast %shift_left3A_282 : vector<16xi32> to vector<16xf32>
      %and3A_284 = arith.constant -65536 : i32
      %and3A_285 = vector.broadcast %and3A_284 : i32 to vector<16xi32>
      %and3A_286 = arith.andi %gather3A_279, %and3A_285 : vector<16xi32>
      %bitcast3A_287 = vector.bitcast %and3A_286 : vector<16xi32> to vector<16xf32>
      %add3A_288 = arith.addf %add3A_272, %bitcast3A_283 : vector<16xf32>
      %add3A_289 = arith.addf %add3A_273, %bitcast3A_287 : vector<16xf32>
      %scan3A_290 = arith.constant 7 : i32
      %scan3A_291 = arith.addi %scan3A_182, %scan3A_290 : i32
      %get3A_292 = arith.index_cast %scan3A_291 : i32 to index
      %get3A_293 = arith.constant 112 : index
      %get3A_294 = tpu.vector_load %arg6[%get3A_292, %get3A_293] {strides = array<i32>} : memref<200x128xi32, #tpu.memory_space<vmem>>, vector<16xi32>,
      %gather3A_295 = tpu.vector_load_idx %arg5[%get3A_294] : memref<100000xi32, #tpu.memory_space<vmem>>[vector<16xi32>], vector<16xi32>,
      %shift_left3A_296 = arith.constant 16 : i32
      %shift_left3A_297 = vector.broadcast %shift_left3A_296 : i32 to vector<16xi32>
      %shift_left3A_298 = arith.shli %gather3A_295, %shift_left3A_297 : vector<16xi32>
      %bitcast3A_299 = vector.bitcast %shift_left3A_298 : vector<16xi32> to vector<16xf32>
      %and3A_300 = arith.constant -65536 : i32
      %and3A_301 = vector.broadcast %and3A_300 : i32 to vector<16xi32>
      %and3A_302 = arith.andi %gather3A_295, %and3A_301 : vector<16xi32>
      %bitcast3A_303 = vector.bitcast %and3A_302 : vector<16xi32> to vector<16xf32>
      %add3A_304 = arith.addf %add3A_288, %bitcast3A_299 : vector<16xf32>
      %add3A_305 = arith.addf %add3A_289, %bitcast3A_303 : vector<16xf32>
      scf.yield %add3A_304, %add3A_305 : vector<16xf32>, vector<16xf32>
    }
    %scan3A_167 = arith.constant 200 : i32
    %mul3A_168 = arith.constant 5.000000e-03 : f32
    %mul3A_169 = vector.broadcast %mul3A_168 : f32 to vector<16xf32>
    %mul3A_170 = arith.mulf %scan3A_166#0, %mul3A_169 : vector<16xf32>
    %swap3A_171 = arith.constant 0 : i32
    %swap3A_172 = arith.index_cast %swap3A_171 : i32 to index
    %swap3A_173 = arith.constant 112 : index
    %swap3A_174 = tpu.vector_load %arg7[%swap3A_172, %swap3A_173] {strides = array<i32>} : memref<2x128xf32, #tpu.memory_space<vmem>>, vector<16xf32>,
    tpu.vector_store %arg7[%swap3A_172, %swap3A_173], %mul3A_170 {strides = array<i32>} : memref<2x128xf32, #tpu.memory_space<vmem>>, vector<16xf32>,
    %mul3A_175 = arith.constant 5.000000e-03 : f32
    %mul3A_176 = vector.broadcast %mul3A_175 : f32 to vector<16xf32>
    %mul3A_177 = arith.mulf %scan3A_166#1, %mul3A_176 : vector<16xf32>
    %swap3A_178 = arith.constant 1 : i32
    %swap3A_179 = arith.index_cast %swap3A_178 : i32 to index
    %swap3A_180 = arith.constant 112 : index
    %swap3A_181 = tpu.vector_load %arg7[%swap3A_179, %swap3A_180] {strides = array<i32>} : memref<2x128xf32, #tpu.memory_space<vmem>>, vector<16xf32>,
    tpu.vector_store %arg7[%swap3A_179, %swap3A_180], %mul3A_177 {strides = array<i32>} : memref<2x128xf32, #tpu.memory_space<vmem>>, vector<16xf32>,
    "tpu.region"() ({
      %run_scoped3A = tpu.sem_alloc : memref<!tpu.dma_semaphore, #tpu.memory_space<semaphore_mem>>
      %dma_start3A_182 = arith.constant 0 : i32
      %dma_start3A_183 = tpu.memref_slice %arg4[%dma_start3A_182, %mul3A_2] : memref<2x4096xf32, #tpu.memory_space<hbm>> -> memref<2x128xf32, #tpu.memory_space<hbm>>
      %dma_start3A_184 = arith.constant 0 : i32
      %dma_start3A_185 = tpu.memref_slice %arg4[%dma_start3A_184, %mul3A_2] : memref<2x4096xf32, #tpu.memory_space<hbm>> -> memref<2x128xf32, #tpu.memory_space<hbm>>
      tpu.enqueue_dma source(%arg7 : memref<2x128xf32, #tpu.memory_space<vmem>>) target(%dma_start3A_185 : memref<2x128xf32, #tpu.memory_space<hbm>>) target_semaphore(%run_scoped3A : memref<!tpu.dma_semaphore, #tpu.memory_space<semaphore_mem>>)
      %dma_wait3A_186 = arith.constant 0 : i32
      %dma_wait3A_187 = tpu.memref_slice %arg4[%dma_wait3A_186, %mul3A_2] : memref<2x4096xf32, #tpu.memory_space<hbm>> -> memref<2x128xf32, #tpu.memory_space<hbm>>
      %dma_wait3A_188 = arith.constant 0 : i32
      %dma_wait3A_189 = tpu.memref_slice %arg4[%dma_wait3A_188, %mul3A_2] : memref<2x4096xf32, #tpu.memory_space<hbm>> -> memref<2x128xf32, #tpu.memory_space<hbm>>
      tpu.wait_dma2 semaphore(%run_scoped3A : memref<!tpu.dma_semaphore, #tpu.memory_space<semaphore_mem>>) src(%arg7 : memref<2x128xf32, #tpu.memory_space<vmem>>) dst(%dma_wait3A_189 : memref<2x128xf32, #tpu.memory_space<hbm>>)
      tpu.yield
    }) : () -> ()
    return
  }
}

module attributes {stable_mosaic.version = 14 : i64} {
  func.func @_fold_body(%arg0: i32, %arg1: memref<20000x64xf32, #tpu.memory_space<vmem>>, %arg2: memref<8x64xf32, #tpu.memory_space<vmem>>, %arg3: memref<2xf32, #tpu.memory_space<smem>>, %arg4: memref<1x1x20000xi32, #tpu.memory_space<vmem>>) attributes {dimension_semantics = [#tpu.dimension_semantics<arbitrary>], iteration_bounds = array<i64: 5>, scalar_prefetch = 0 : i64, scratch_operands = 0 : i64, tpu.core_type = #tpu.core_type<tc>, window_params = [{transform_indices = @transform_0, window_bounds = array<i64: 20000, 64>}, {pipeline_mode = #tpu.pipeline_mode<synchronous>, transform_indices = @transform_1, window_bounds = array<i64: 8, 64>}, {transform_indices = @transform_2, window_bounds = array<i64: 2>}, {transform_indices = @transform_3, window_bounds = array<i64: 1, 1, 20000>}]} {
    %get3A = arith.constant 0 : index
    %get3A_0 = arith.constant 0 : index
    %get3A_1 = vector.load %arg1[%get3A, %get3A_0] : memref<20000x64xf32, #tpu.memory_space<vmem>>, vector<20000x64xf32>
    %get3A_2 = arith.constant 0 : index
    %get3A_3 = arith.constant 0 : index
    %get3A_4 = vector.load %arg2[%get3A_2, %get3A_3] : memref<8x64xf32, #tpu.memory_space<vmem>>, vector<8x64xf32>
    %dot_general3A = arith.constant dense<0.000000e+00> : vector<8x20000xf32>
    %dot_general3A_5 = tpu.matmul %get3A_4, %get3A_1, %dot_general3A {dimension_numbers = #tpu.dot_dimension_numbers<[1], [1], [0], [0], [0, 0, 1, 0], [], []>, transpose_lhs_hint = false} : vector<8x64xf32>, vector<20000x64xf32>, vector<8x20000xf32> -> vector<8x20000xf32>
    %slice3A = vector.extract_strided_slice %dot_general3A_5 {offsets = [0, 0], sizes = [1, 20000], strides = [1, 1]} : vector<8x20000xf32> to vector<1x20000xf32>
    %get3A_6 = arith.constant 0 : index
    %get3A_7 = memref.load %arg3[%get3A_6] : memref<2xf32, #tpu.memory_space<smem>>
    %add3A = vector.broadcast %get3A_7 : f32 to vector<1x20000xf32>
    %add3A_8 = arith.addf %slice3A, %add3A : vector<1x20000xf32>
    %slice3A_9 = vector.extract_strided_slice %dot_general3A_5 {offsets = [1, 0], sizes = [1, 20000], strides = [1, 1]} : vector<8x20000xf32> to vector<1x20000xf32>
    %get3A_10 = arith.constant 1 : index
    %get3A_11 = memref.load %arg3[%get3A_10] : memref<2xf32, #tpu.memory_space<smem>>
    %add3A_12 = vector.broadcast %get3A_11 : f32 to vector<1x20000xf32>
    %add3A_13 = arith.addf %slice3A_9, %add3A_12 : vector<1x20000xf32>
    %bitcast_convert_type3A = tpu.bitcast %add3A_8 : vector<1x20000xf32> -> vector<1x20000xi32>
    %add3A_14 = arith.constant 32767 : i32
    %add3A_15 = vector.broadcast %add3A_14 : i32 to vector<1x20000xi32>
    %add3A_16 = arith.addi %bitcast_convert_type3A, %add3A_15 : vector<1x20000xi32>
    %shift_right_logical3A = arith.constant 16 : i32
    %shift_right_logical3A_17 = vector.broadcast %shift_right_logical3A : i32 to vector<1x20000xi32>
    %shift_right_logical3A_18 = arith.shrui %bitcast_convert_type3A, %shift_right_logical3A_17 : vector<1x20000xi32>
    %and3A = arith.constant 1 : i32
    %and3A_19 = vector.broadcast %and3A : i32 to vector<1x20000xi32>
    %and3A_20 = arith.andi %shift_right_logical3A_18, %and3A_19 : vector<1x20000xi32>
    %add3A_21 = arith.addi %add3A_16, %and3A_20 : vector<1x20000xi32>
    %shift_right_logical3A_22 = arith.constant 16 : i32
    %shift_right_logical3A_23 = vector.broadcast %shift_right_logical3A_22 : i32 to vector<1x20000xi32>
    %shift_right_logical3A_24 = arith.shrui %add3A_21, %shift_right_logical3A_23 : vector<1x20000xi32>
    %bitcast_convert_type3A_25 = tpu.bitcast %add3A_13 : vector<1x20000xf32> -> vector<1x20000xi32>
    %add3A_26 = arith.constant 32767 : i32
    %add3A_27 = vector.broadcast %add3A_26 : i32 to vector<1x20000xi32>
    %add3A_28 = arith.addi %bitcast_convert_type3A_25, %add3A_27 : vector<1x20000xi32>
    %shift_right_logical3A_29 = arith.constant 16 : i32
    %shift_right_logical3A_30 = vector.broadcast %shift_right_logical3A_29 : i32 to vector<1x20000xi32>
    %shift_right_logical3A_31 = arith.shrui %bitcast_convert_type3A_25, %shift_right_logical3A_30 : vector<1x20000xi32>
    %and3A_32 = arith.constant 1 : i32
    %and3A_33 = vector.broadcast %and3A_32 : i32 to vector<1x20000xi32>
    %and3A_34 = arith.andi %shift_right_logical3A_31, %and3A_33 : vector<1x20000xi32>
    %add3A_35 = arith.addi %add3A_28, %and3A_34 : vector<1x20000xi32>
    %shift_right_logical3A_36 = arith.constant 16 : i32
    %shift_right_logical3A_37 = vector.broadcast %shift_right_logical3A_36 : i32 to vector<1x20000xi32>
    %shift_right_logical3A_38 = arith.shrui %add3A_35, %shift_right_logical3A_37 : vector<1x20000xi32>
    %shift_left3A = arith.constant 16 : i32
    %shift_left3A_39 = vector.broadcast %shift_left3A : i32 to vector<1x20000xi32>
    %shift_left3A_40 = arith.shli %shift_right_logical3A_38, %shift_left3A_39 : vector<1x20000xi32>
    %or3A = arith.ori %shift_right_logical3A_24, %shift_left3A_40 : vector<1x20000xi32>
    %bitcast_convert_type3A_41 = tpu.bitcast %or3A : vector<1x20000xi32> -> vector<1x20000xi32>
    %reshape3A = vector.shape_cast %bitcast_convert_type3A_41 : vector<1x20000xi32> to vector<1x1x20000xi32>
    %swap3A = arith.constant 0 : index
    %swap3A_42 = arith.constant 0 : index
    %swap3A_43 = arith.constant 0 : index
    %swap3A_44 = vector.load %arg4[%swap3A, %swap3A_42, %swap3A_43] : memref<1x1x20000xi32, #tpu.memory_space<vmem>>, vector<1x1x20000xi32>
    tpu.vector_store %arg4[%swap3A, %swap3A_42, %swap3A_43], %reshape3A {strides = array<i32>} : memref<1x1x20000xi32, #tpu.memory_space<vmem>>, vector<1x1x20000xi32>,
    return
  }
  func.func @transform_0(%arg0: i32) -> (i32, i32) {
    %c0_i32 = arith.constant 0 : i32
    %c0_i32_0 = arith.constant 0 : i32
    return %arg0, %c0_i32 : i32, i32
  }
  func.func @transform_1(%arg0: i32) -> (i32, i32) {
    %c0_i32 = arith.constant 0 : i32
    %c0_i32_0 = arith.constant 0 : i32
    %c0_i32_1 = arith.constant 0 : i32
    return %c0_i32, %c0_i32_0 : i32, i32
  }
  func.func @transform_2(%arg0: i32) -> i32 {
    %c0_i32 = arith.constant 0 : i32
    %c0_i32_0 = arith.constant 0 : i32
    return %c0_i32 : i32
  }
  func.func @transform_3(%arg0: i32) -> (i32, i32, i32) {
    %c0_i32 = arith.constant 0 : i32
    %c0_i32_0 = arith.constant 0 : i32
    %c0_i32_1 = arith.constant 0 : i32
    return %arg0, %c0_i32, %c0_i32_0 : i32, i32, i32
  }
}

</mosaic_0001>

<sc_bundles>
// kernel: kernel.4.cloned.1.call-start
scs
__scs_entry_jumppad:
0x0: {  	(pc) =	sbr.rel $0x88, $3  }
0x1: {  	(tag) =	ssettag $0x0;
	lr =	simm.s32 $0x1  }
0x2: {  	[smem:$0x3F9D] =	sst lr;
	_ =	strace $0xD0000000  }
0x3: {  	_ = 	snop  }
0x4: {  	_ = 	snop  }
0x5: {  	_ = 	snop  }
0x6: {  	_ = 	snop  }
0x7: {  	_ = 	snop  }
__scs_overlays_trampoline_lowered:
0x8: {  	[smem:$0x3FAC] =	sst s0  }
0x9: {  	[smem:$0x3FAD] =	sst s1  }
0xa: {  	[smem:$0x3FAE] =	sst s2  }
0xb: {  	[smem:$0x3FAF] =	sst s3  }
0xc: {  	[smem:$0x3FB0] =	sst s4  }
0xd: {  	[smem:$0x3FB1] =	sst s5  }
0xe: {  	[smem:$0x3FB2] =	sst s6  }
0xf: {  	[smem:$0x3FB3] =	sst s7  }
0x10: {  	[smem:$0x3FB4] =	sst s8  }
0x11: {  	[smem:$0x3FB5] =	sst s9;
	s0 =	simm.s32 @!p0 $0x0  }
0x12: {  	s1 =	sld [smem:$0x3F9B];
	s0 =	simm.s32 @p0 $0x1  }
0x13: {  	[smem:$0x3FB6] =	sst s0;
	s0 =	simm.s32 @!p1 $0x0  }
0x14: {  	s2 =	sld [smem:$0x3F9A];
	s0 =	simm.s32 @p1 $0x1  }
0x15: {  	[smem:$0x3FB7] =	sst s0;
	s0 =	simm.s32 @!p2 $0x0  }
0x16: {  	s3 =	sld [smem:$0x3FDB];
	s0 =	simm.s32 @p2 $0x1  }
0x17: {  	s4 =	simm.s32 $0x1BF5;
	[smem:$0x3FB9] =	sst s0  }
0x18: {  	s0 =	sld [smem:$0x3F9C];
	_ =	swait.ge [sflag:s4], $0x0  }
0x19: {  	s7 =	sld [smem:$0x3F9D]  }
0x1a: {  	s8 =	sadd.s32 $0xFFFFE003, lr  }
0x1b: {  	s9 =	sadd.s32 $0xFFFFFEF7, lr;
	s5 =	simm.s32 $0xFFFFFFFF;
	p2 =	slt.u32 s8, $0xFFFFF086  }
0x1c: {  	p1 =	slt.u32 s9, $0xF7A;
	s5 =	simm.s32 @!p2 $0x0  }
0x1d: {  	s5 =	simm.s32 @p1 $0x1;
	p0 =	seq.s32 s7, s2  }
0x1e: {  	s7 =	smul.u32 @!p0 $0xF7A, s2;
	p2 =	seq.s32 @!p0 s5, $0x0  }
0x1f: {  	s9 =	smul.u32 $0xF7A, s1;
	s8 =	simm.s32 @!p0 $0x1BF5;
	p2 =	por !p2, p0  }
0x20: {  	[sflag:s8] =	ssyncset.s32 @!p0 $0xFFFFF086;
	s6 =	sadd.s32 @!p0 s3, s7;
	s7 =	simm.s32 @!p0 $0x108  }
0x21: {  	s3 =	sadd.s32 s3, s9;
	s6 =	sadd.s32 @!p0 $0x88, s6;
	s7 =	simm.s32 @p2 $0x1082  }
0x22: {  	[simem:s7], [sflag:s8] =	dma.local @!p0 [hbm:s6], $0xF7A  }
0x23: {  	s9 =	sor.u32 $0xD0000000, s2;
	s6 =	simm.s32 $0x108;
	_ =	swait.ge @!p0 [sflag:s8], $0x0  }
0x24: {  	s3 =	sadd.s32 $0x88, s3;
	s6 =	simm.s32 @!p1 $0x1082;
	[sflag:s4] =	ssyncset.s32 $0xFFFFF086  }
0x25: {  	[simem:s6], [sflag:s4] =	dma.local [hbm:s3], $0xF7A  }
0x26: {  	[smem:$0x3F9D] =	sst s1;
	(tag) =	ssettag s2;
	_ =	strace s9  }
0x27: {  	s1 =	sld [smem:$0x3FAD]  }
0x28: {  	s2 =	sld [smem:$0x3FAE]  }
0x29: {  	s4 =	sld [smem:$0x3FB0]  }
0x2a: {  	p0 =	seq.s32 s5, $0x0;
	s5 =	sld [smem:$0x3FB1]  }
0x2b: {  	s6 =	sld [smem:$0x3FB2]  }
0x2c: {  	s7 =	sld [smem:$0x3FB3]  }
0x2d: {  	s3 =	simm.s32 $0x108;
	s8 =	sld [smem:$0x3FB4]  }
0x2e: {  	s3 =	simm.s32 @!p0 $0x1082;
	s9 =	sld [smem:$0x3FB5]  }
0x2f: {  	lr =	sadd.s32 s0, s3;
	s0 =	sld [smem:$0x3FAC]  }
0x30: {  	s3 =	sld [smem:$0x3FAF]  }
0x31: {  	[smem:$0x3FB8] =	sst s10  }
0x32: {  	s10 =	sld [smem:$0x3FB6];
	_ =	sdelay $0x3  }
0x33: {  	p0 =	seq.s32 s10, $0x1;
	s10 =	sld [smem:$0x3FB8];
	_ =	sdelay $0x3  }
0x34: {  	[smem:$0x3FB8] =	sst s10  }
0x35: {  	s10 =	sld [smem:$0x3FB7];
	_ =	sdelay $0x3  }
0x36: {  	p1 =	seq.s32 s10, $0x1;
	s10 =	sld [smem:$0x3FB8];
	_ =	sdelay $0x3  }
0x37: {  	[smem:$0x3FB8] =	sst s10  }
0x38: {  	s10 =	sld [smem:$0x3FB9]  }
0x39: {  	_ = 	snop;
	(pc) =	sbr.ind lr, $3  }
0x3a: {  	_ = 	snop  }
0x3b: {  	_ = 	snop  }
0x3c: {  	p2 =	seq.s32 s10, $0x1;
	s10 =	sld [smem:$0x3FB8]  }
0x3d: {  	_ =	shalt  }
0x3e: {  	_ =	shalt  }
0x3f: {  	_ =	shalt  }
0x40: {  	_ =	shalt  }
0x41: {  	_ =	shalt  }
0x42: {  	_ =	shalt  }
0x43: {  	_ =	shalt  }
0x44: {  	_ =	shalt  }
0x45: {  	_ =	shalt  }
0x46: {  	_ =	shalt  }
0x47: {  	_ =	shalt  }
0x48: {  	_ =	shalt  }
0x49: {  	_ =	shalt  }
0x4a: {  	_ =	shalt  }
0x4b: {  	_ =	shalt  }
0x4c: {  	_ =	shalt  }
0x4d: {  	_ =	shalt  }
0x4e: {  	_ =	shalt  }
0x4f: {  	_ =	shalt  }
0x50: {  	_ =	shalt  }
0x51: {  	_ =	shalt  }
0x52: {  	_ =	shalt  }
0x53: {  	_ =	shalt  }
0x54: {  	_ =	shalt  }
0x55: {  	_ =	shalt  }
0x56: {  	_ =	shalt  }
0x57: {  	_ =	shalt  }
0x58: {  	_ =	shalt  }
0x59: {  	_ =	shalt  }
0x5a: {  	_ =	shalt  }
0x5b: {  	_ =	shalt  }
0x5c: {  	_ =	shalt  }
0x5d: {  	_ =	shalt  }
0x5e: {  	_ =	shalt  }
0x5f: {  	_ =	shalt  }
0x60: {  	_ =	shalt  }
0x61: {  	_ =	shalt  }
0x62: {  	_ =	shalt  }
0x63: {  	_ =	shalt  }
0x64: {  	_ =	shalt  }
0x65: {  	_ =	shalt  }
0x66: {  	_ =	shalt  }
0x67: {  	_ =	shalt  }
0x68: {  	_ =	shalt  }
0x69: {  	_ =	shalt  }
0x6a: {  	_ =	shalt  }
0x6b: {  	_ =	shalt  }
0x6c: {  	_ =	shalt  }
0x6d: {  	_ =	shalt  }
0x6e: {  	_ =	shalt  }
0x6f: {  	_ =	shalt  }
0x70: {  	_ =	shalt  }
0x71: {  	_ =	shalt  }
0x72: {  	_ =	shalt  }
0x73: {  	_ =	shalt  }
0x74: {  	_ =	shalt  }
0x75: {  	_ =	shalt  }
0x76: {  	_ =	shalt  }
0x77: {  	_ =	shalt  }
0x78: {  	_ =	shalt  }
0x79: {  	_ =	shalt  }
0x7a: {  	_ =	shalt  }
0x7b: {  	_ =	shalt  }
0x7c: {  	_ =	shalt  }
0x7d: {  	_ =	shalt  }
0x7e: {  	_ =	shalt  }
0x7f: {  	_ =	shalt  }
0x80: {  	_ =	shalt  }
0x81: {  	_ =	shalt  }
0x82: {  	_ =	shalt  }
0x83: {  	_ =	shalt  }
0x84: {  	_ =	shalt  }
0x85: {  	_ =	shalt  }
0x86: {  	_ =	shalt  }
0x87: {  	_ =	shalt  }
.Lfunc_end0:
.L_simem_size_0:
called_computation_lowered:
.L_overlay_start_0:
0x88: {  	s2 =	sld [smem:$0x3FD9]  }
0x89: {  	s3 =	sld [smem:$0x3FFE];
	_ =	sdelay $0x1  }
0x8a: {  	s1 =	srdreg.scid  }
0x8b: {  	s0 =	sand.u32 $0x1, s1  }
0x8c: {  	s17 =	sshll.u32 s0, $0xA;
	s2 =	sadd.s32 s3, s2  }
0x8d: {  	s2 =	sadd.s32 s2, s17  }
0x8e: {  	[smem:$0x3FC4] =	sst s2  }
0x8f: {  	_ = 	snop  }
0x90: {  	s2 =	sld [smem:$0x3FC9]  }
0x91: {  	s18 =	sld [smem:$0x3FD0];
	(tm) =	ssettm $0x1  }
0x92: {  	s4 =	sld [smem:$0x3FFB];
	_ =	sdelay $0x3  }
0x93: {  	_ =	strace s4  }
0x94: {  	s4 =	sld [smem:$0x3FFC];
	_ =	sdelay $0x3  }
0x95: {  	_ =	strace s4  }
0x96: {  	s4 =	sld [smem:$0x3FFD];
	_ =	sdelay $0x3  }
0x97: {  	_ =	strace s4  }
0x98: {  	_ =	strace $0x8FFFFFFF  }
0x99: {  	s19 =	sld [smem:$0x3FDB];
	_ =	sdelay $0x1  }
0x9a: {  	s5 =	simm.s32 $_scs_section_size  }
0x9b: {  	s6 =	simm.s32 $_size__tile_overlayer_lowered;
	s7 =	simm.s32 $_tile_overlayer_lowered  }
0x9c: {  	s22 =	simm.s32 $0x1BFF;
	s21 =	sshll.u32 s7, $0x1;
	s4 =	sadd.s32 s5, s19  }
0x9d: {  	s8 =	simm.s32 $0x0;
	s20 =	sshll.u32 s6, $0x1;
	s6 =	sadd.s32 s21, s4  }
0x9e: {  	[timem:s8], [sflag:s22] =	dma.local [hbm:s6], s20  }
0x9f: {  	_ =	swait.ge [sflag:s22], s20  }
0xa0: {  	s5 =	ssub.s32 $0x0, s20;
	[sflag:s22] =	ssyncset.done $0x0  }
0xa1: {  	[sflag:s22] =	ssyncadd.s32 s5;
	_ =	sdelay $0x1  }
0xa2: {  	s23 =	simm.s32 $0x1B8B  }
0xa3: {  	_ =	swait.ge [sflag:s23], $0x1  }
0xa4: {  	[sflag:s23] =	ssyncset.done $0x0  }
0xa5: {  	s25 =	simm.s32 $0x1B8E;
	s24 =	sld [smem:$0x3FFE];
	[sflag:s23] =	ssyncadd.s32 $0xFFFFFFFF  }
0xa6: {  	s26 =	simm.s32 $execute0_lowered;
	[smem:$0x3FD2] =	sst s25  }
0xa7: {  	s6 =	sshll.u32 s26, $0x1;
	_ =	strace $0x80000046;
	[dreg:$0x1] =	wrdreg $0xFFFFFFFF  }
0xa8: {  	s28 =	simm.s32 $_size_execute0_lowered;
	s4 =	sadd.s32 s4, s6;
	[dreg:$0x0] =	wrdreg $0x0  }
0xa9: {  	s6 =	sshll.u32 s28, $0x1;
	[dreg:$0x2] =	wrdreg s4  }
0xaa: {  	[dreg:$0x3] =	wrdreg s6  }
0xab: {  	[dreg:$0x4] =	wrdreg $0xC0  }
0xac: {  	_ =	task [dreg:s8], $0x5FFFF  }
0xad: {  	[dreg:$0x1] =	wrdreg $0xFFFFFFFF  }
0xae: {  	[dreg:$0x0] =	wrdreg $0x60  }
0xaf: {  	[dreg:$0x2] =	wrdreg s24  }
0xb0: {  	[dreg:$0x3] =	wrdreg s2  }
0xb1: {  	[dreg:$0x4] =	wrdreg s18  }
0xb2: {  	[dreg:$0x5] =	wrdreg $0x9  }
0xb3: {  	_ =	task.clear_ibuf [dreg:s8], $0x6FFFF;
	_ =	strace $0x90000046  }
0xb4: {  	s29 =	simm.s32 $0x9;
	_ =	strace $0x80000048  }
0xb5: {  	_ =	swait.ge [sflag:s29], $0x1  }
0xb6: {  	[sflag:s29] =	ssyncadd.s32 $0xFFFFFFFF  }
0xb7: {  	_ =	strace $0x90000048  }
0xb8: {  	_ =	sfence  }
0xb9: {  	s30 =	sld [smem:$0x0];
	_ =	sdelay $0x2  }
0xba: {  	s31 =	sshll.u32 s1, $0xD;
	s1 =	sshrl.u32 s1, $0x2  }
0xbb: {  	s3 =	sand.u32 $0x4000, s31;
	s1 =	sadd.s32 s1, s30  }
0xbc: {  	s0 =	sor.u32 s3, s0;
	s1 =	sshll.u32 s1, $0x11  }
0xbd: {  	s0 =	sor.u32 s1, s0  }
0xbe: {  	s0 =	sadd.s32 $0x8F2B, s0  }
0xbf: {  	[sflag:s0] =	ssyncadd.remote.s32 $0x1  }
0xc0: {  	_ =	sfence.sel $0xFFFF  }
0xc1: {  	[dreg:$0x0] =	wrdreg $0xFFFFFFFF;
	(pc) =	sbr.abs _section_cstart, $3  }
0xc2: {  	[dreg:$0x1] =	wrdreg $0xFFFFFFFF  }
0xc3: {  	_ =	task.clear_ibuf [dreg:s8], $0x2FFFF;
	_ =	strace $0x9FFFFFFF  }
0xc4: {  	(tm) =	ssettm $0x7FFFFFFF  }
0xc5: {  	_ =	shalt  }
tec
execute0_lowered:
.L_overlay_start_1:
0x0: {  	(tag) =	ssettag $0x1  }
0x1: {  	s3 =	rddreg [dreg:$0x0]  }
0x2: {  	s4 =	rddreg [dreg:$0x1]  }
0x3: {  	s5 =	rddreg [dreg:$0x2]  }
0x4: {  	s0 =	rddreg [dreg:$0x3];
	s2 =	simm.s32 $0x0  }
0x5: {  	s6 =	srdreg.scid;
	s1 =	stileid.u32;
	s10 =	simm.s32 $0x1  }
0x6: {  	s11 =	simm.s32 $0x2;
	s12 =	simm.s32 $0x1EB00;
	s13 =	simm.s32 $0x3  }
0x7: {  	s14 =	simm.s32 $0x0;
	[smem:$0x7FF] =	sst s2;
	s6 =	sand.u32 $0x1, s6  }
0x8: {  	s7 =	sshll.u32 s1, $0x1;
	s3 =	sadd.s32 $0x400, s3;
	s8 =	ssub.s32 $0x2, s6  }
0x9: {  	_ =	strace $0x80000047;
	s6 =	sor.u32 s6, s7;
	s31 =	sshrl.u32 s8, $0x1  }
0xa: {  	s9 =	sshll.u32 s6, $0x7;
	s6 =	sshll.u32 s6, $0x5;
	s7 =	ssub.s32 s8, s31  }
0xb: {  	s4 =	sadd.s32 s4, s9;
	s5 =	sadd.s32 s5, s6;
	s8 =	simm.s32 $0x8000  }
0xc: {  	s9 =	simm.s32 $0x18700;
	s6 =	smax.u32 s7, $0x1;
	s7 =	simm.s32 $0x400  }
.LBB2_1:
0xd: {  	[tilespmem:s2], [sflag:$0x1] =	stream.linear.gather [hbm4b:s3+s2], $0x18700, $0x38;
	[tilespmem:$0x1EC00] =	vst v63  }
0xe: {  	_ = 	snop  }
0xf: {  	[tilespmem:s9], [sflag:$0x2] =	stream.strided.gather [hbm4b:s4+s7], $0x6400, s8, s7, $0x38;
	[tilespmem:$0x1EC00] =	vst v63  }
0x10: {  	_ =	swait.ge [sflag:s10], $0x18700  }
0x11: {  	[sflag:s10] =	ssyncset.done $0x0  }
0x12: {  	[sflag:s10] =	ssyncadd.s32 $0xFFFE7900  }
0x13: {  	_ =	swait.ge [sflag:s11], $0x6400  }
0x14: {  	[sflag:s11] =	ssyncset.done $0x0  }
0x15: {  	s15 =	simm.s32 $0x18900;
	[sflag:s11] =	ssyncadd.s32 $0xFFFF9C00  }
0x16: {  	v0 =	vld [tilespmem:s15+$0xFFFFFE00]  }
0x17: {  	v1 =	vld [tilespmem:s15+$0xFFFFFE80];
	_ =	sdelay $0x1  }
0x18: {  	v4 =	vld [tilespmem:s15+$0xFFFFFF00];
	_ =	sdelay $0x1  }
0x19: {  	v5 =	vld [tilespmem:s15+$0xFFFFFF80]  }
0x1a: {  	v3 =	vld [tilespmem:s15+$0x0]  }
0x1b: {  	v2 =	vld [tilespmem:s15+$0x80]  }
0x1c: {  	v9 =	vld.idx.msk [tilespmem:v0+s2+$0x0], $0xffff  }
0x1d: {  	v6 =	vld.idx.msk [tilespmem:v1+s2+$0x0], $0xffff  }
0x1e: {  	v1 =	vld [tilespmem:s15+$0x100]  }
0x1f: {  	v4 =	vld.idx.msk [tilespmem:v4+s2+$0x0], $0xffff  }
0x20: {  	v7 =	vimm.f32 $0.0e+00;
	v0 =	vld [tilespmem:s15+$0x180]  }
0x21: {  	s16 =	simm.s32 $0x18D00;
	s15 =	simm.s32 $0x0;
	v5 =	vld.idx.msk [tilespmem:v5+s2+$0x0], $0xffff;
	v8 =	vshll.u32 v9, $0x10;
	v10 =	vand.u32 $0xFFFF0000, v9;
	v9 =	vimm.f32 $0.0e+00  }
.LBB2_2:
0x22: {  	v11 =	vld [tilespmem:s16+$0xFFFFFE00];
	v7 =	vadd.f32 v8, v7;
	v8 =	vadd.f32 v10, v9  }
0x23: {  	s15 =	sadd.s32 $0x8, s15;
	v9 =	vshll.u32 v6, $0x10;
	v6 =	vand.u32 $0xFFFF0000, v6;
	v3 =	vld.idx.msk [tilespmem:v3+s2+$0x0], $0xffff  }
0x24: {  	p0 =	slt.u32 s15, $0xC0;
	v10 =	vld [tilespmem:s16+$0xFFFFFE80];
	v7 =	vadd.f32 v9, v7;
	v6 =	vadd.f32 v6, v8  }
0x25: {  	v8 =	vshll.u32 v4, $0x10;
	v4 =	vand.u32 $0xFFFF0000, v4;
	v2 =	vld.idx.msk [tilespmem:v2+s2+$0x0], $0xffff  }
0x26: {  	v9 =	vld [tilespmem:s16+$0xFFFFFF00];
	v7 =	vadd.f32 v8, v7;
	v4 =	vadd.f32 v4, v6  }
0x27: {  	v6 =	vshll.u32 v5, $0x10;
	v5 =	vand.u32 $0xFFFF0000, v5;
	v1 =	vld.idx.msk [tilespmem:v1+s2+$0x0], $0xffff  }
0x28: {  	v12 =	vld [tilespmem:s16+$0xFFFFFF80];
	v6 =	vadd.f32 v6, v7;
	v4 =	vadd.f32 v5, v4  }
0x29: {  	v5 =	vshll.u32 v3, $0x10;
	v7 =	vand.u32 $0xFFFF0000, v3;
	v0 =	vld.idx.msk [tilespmem:v0+s2+$0x0], $0xffff  }
0x2a: {  	v3 =	vld [tilespmem:s16+$0x0];
	v5 =	vadd.f32 v5, v6;
	v4 =	vadd.f32 v7, v4  }
0x2b: {  	v6 =	vshll.u32 v2, $0x10;
	v7 =	vand.u32 $0xFFFF0000, v2;
	v11 =	vld.idx.msk [tilespmem:v11+s2+$0x0], $0xffff  }
0x2c: {  	v2 =	vld [tilespmem:s16+$0x80];
	v5 =	vadd.f32 v6, v5;
	v4 =	vadd.f32 v7, v4  }
.Ltmp0:
0x2d: {  	v7 =	vshll.u32 v1, $0x10;
	v8 =	vand.u32 $0xFFFF0000, v1;
	v6 =	vld.idx.msk [tilespmem:v10+s2+$0x0], $0xffff;
	(pc) =	sbr.rel @p0 .LBB2_2-.Ltmp0, $4  }
0x2e: {  	v1 =	vld [tilespmem:s16+$0x100];
	v5 =	vadd.f32 v7, v5;
	v8 =	vadd.f32 v8, v4  }
0x2f: {  	v7 =	vshll.u32 v0, $0x10;
	v4 =	vld.idx.msk [tilespmem:v9+s2+$0x0], $0xffff;
	v9 =	vand.u32 $0xFFFF0000, v0  }
0x30: {  	v0 =	vld [tilespmem:s16+$0x180];
	v7 =	vadd.f32 v7, v5;
	v9 =	vadd.f32 v9, v8  }
0x31: {  	v8 =	vshll.u32 v11, $0x10;
	v10 =	vand.u32 $0xFFFF0000, v11;
	s16 =	sadd.s32 $0x400, s16;
	v5 =	vld.idx.msk [tilespmem:v12+s2+$0x0], $0xffff  }
0x32: {  	_ =	sdelay $0x1  }
0x33: {  	v7 =	vadd.f32 v8, v7  }
0x34: {  	v8 =	vadd.f32 v10, v9;
	v9 =	vshll.u32 v6, $0x10  }
0x35: {  	v6 =	vand.u32 $0xFFFF0000, v6;
	v3 =	vld.idx.msk [tilespmem:v3+s2+$0x0], $0xffff;
	v7 =	vadd.f32 v9, v7  }
0x36: {  	v6 =	vadd.f32 v6, v8;
	v8 =	vshll.u32 v4, $0x10  }
0x37: {  	v2 =	vld.idx.msk [tilespmem:v2+s2+$0x0], $0xffff;
	v4 =	vand.u32 $0xFFFF0000, v4;
	v7 =	vadd.f32 v8, v7  }
0x38: {  	v4 =	vadd.f32 v4, v6;
	v6 =	vshll.u32 v5, $0x10  }
0x39: {  	v1 =	vld.idx.msk [tilespmem:v1+s2+$0x0], $0xffff;
	v5 =	vand.u32 $0xFFFF0000, v5;
	v6 =	vadd.f32 v6, v7  }
0x3a: {  	v4 =	vadd.f32 v5, v4;
	v5 =	vshll.u32 v3, $0x10  }
0x3b: {  	v0 =	vld.idx.msk [tilespmem:v0+s2+$0x0], $0xffff;
	v3 =	vand.u32 $0xFFFF0000, v3;
	v5 =	vadd.f32 v5, v6  }
0x3c: {  	v3 =	vadd.f32 v3, v4;
	v4 =	vshll.u32 v2, $0x10  }
0x3d: {  	v2 =	vand.u32 $0xFFFF0000, v2;
	v4 =	vadd.f32 v4, v5  }
0x3e: {  	v2 =	vadd.f32 v2, v3;
	v3 =	vshll.u32 v1, $0x10  }
0x3f: {  	v1 =	vand.u32 $0xFFFF0000, v1;
	v3 =	vadd.f32 v3, v4  }
0x40: {  	v1 =	vadd.f32 v1, v2;
	v2 =	vshll.u32 v0, $0x10  }
0x41: {  	v0 =	vand.u32 $0xFFFF0000, v0;
	v2 =	vadd.f32 v2, v3  }
0x42: {  	v0 =	vadd.f32 v0, v1  }
0x43: {  	v1 =	vmul.f32 $4.999999890e-03, v2  }
0x44: {  	v0 =	vmul.f32 $4.999999890e-03, v0  }
0x45: {  	[tilespmem:$0x1EB00] =	vst v1  }
0x46: {  	s15 =	simm.s32 $0x18910;
	[tilespmem:$0x1EB80] =	vst v0  }
0x47: {  	v0 =	vld [tilespmem:s15+$0xFFFFFE00]  }
0x48: {  	v1 =	vld [tilespmem:s15+$0xFFFFFE80];
	_ =	sdelay $0x1  }
0x49: {  	v4 =	vld [tilespmem:s15+$0xFFFFFF00];
	_ =	sdelay $0x1  }
0x4a: {  	v5 =	vld [tilespmem:s15+$0xFFFFFF80]  }
0x4b: {  	v3 =	vld [tilespmem:s15+$0x0]  }
0x4c: {  	v2 =	vld [tilespmem:s15+$0x80]  }
0x4d: {  	v9 =	vld.idx.msk [tilespmem:v0+s2+$0x0], $0xffff  }
0x4e: {  	v6 =	vld.idx.msk [tilespmem:v1+s2+$0x0], $0xffff  }
0x4f: {  	v1 =	vld [tilespmem:s15+$0x100]  }
0x50: {  	v4 =	vld.idx.msk [tilespmem:v4+s2+$0x0], $0xffff  }
0x51: {  	v7 =	vimm.f32 $0.0e+00;
	v0 =	vld [tilespmem:s15+$0x180]  }
0x52: {  	s16 =	simm.s32 $0x18D10;
	s15 =	simm.s32 $0x0;
	v5 =	vld.idx.msk [tilespmem:v5+s2+$0x0], $0xffff;
	v8 =	vshll.u32 v9, $0x10;
	v10 =	vand.u32 $0xFFFF0000, v9;
	v9 =	vimm.f32 $0.0e+00  }
.LBB2_4:
0x53: {  	v11 =	vld [tilespmem:s16+$0xFFFFFE00];
	v7 =	vadd.f32 v8, v7;
	v8 =	vadd.f32 v10, v9  }
0x54: {  	s15 =	sadd.s32 $0x8, s15;
	v9 =	vshll.u32 v6, $0x10;
	v6 =	vand.u32 $0xFFFF0000, v6;
	v3 =	vld.idx.msk [tilespmem:v3+s2+$0x0], $0xffff  }
0x55: {  	p0 =	slt.u32 s15, $0xC0;
	v10 =	vld [tilespmem:s16+$0xFFFFFE80];
	v7 =	vadd.f32 v9, v7;
	v6 =	vadd.f32 v6, v8  }
0x56: {  	v8 =	vshll.u32 v4, $0x10;
	v4 =	vand.u32 $0xFFFF0000, v4;
	v2 =	vld.idx.msk [tilespmem:v2+s2+$0x0], $0xffff  }
0x57: {  	v9 =	vld [tilespmem:s16+$0xFFFFFF00];
	v7 =	vadd.f32 v8, v7;
	v4 =	vadd.f32 v4, v6  }
0x58: {  	v6 =	vshll.u32 v5, $0x10;
	v5 =	vand.u32 $0xFFFF0000, v5;
	v1 =	vld.idx.msk [tilespmem:v1+s2+$0x0], $0xffff  }
0x59: {  	v12 =	vld [tilespmem:s16+$0xFFFFFF80];
	v6 =	vadd.f32 v6, v7;
	v4 =	vadd.f32 v5, v4  }
0x5a: {  	v5 =	vshll.u32 v3, $0x10;
	v7 =	vand.u32 $0xFFFF0000, v3;
	v0 =	vld.idx.msk [tilespmem:v0+s2+$0x0], $0xffff  }
0x5b: {  	v3 =	vld [tilespmem:s16+$0x0];
	v5 =	vadd.f32 v5, v6;
	v4 =	vadd.f32 v7, v4  }
0x5c: {  	v6 =	vshll.u32 v2, $0x10;
	v7 =	vand.u32 $0xFFFF0000, v2;
	v11 =	vld.idx.msk [tilespmem:v11+s2+$0x0], $0xffff  }
0x5d: {  	v2 =	vld [tilespmem:s16+$0x80];
	v5 =	vadd.f32 v6, v5;
	v4 =	vadd.f32 v7, v4  }
.Ltmp1:
0x5e: {  	v7 =	vshll.u32 v1, $0x10;
	v8 =	vand.u32 $0xFFFF0000, v1;
	v6 =	vld.idx.msk [tilespmem:v10+s2+$0x0], $0xffff;
	(pc) =	sbr.rel @p0 .LBB2_4-.Ltmp1, $4  }
0x5f: {  	v1 =	vld [tilespmem:s16+$0x100];
	v5 =	vadd.f32 v7, v5;
	v8 =	vadd.f32 v8, v4  }
0x60: {  	v7 =	vshll.u32 v0, $0x10;
	v4 =	vld.idx.msk [tilespmem:v9+s2+$0x0], $0xffff;
	v9 =	vand.u32 $0xFFFF0000, v0  }
0x61: {  	v0 =	vld [tilespmem:s16+$0x180];
	v7 =	vadd.f32 v7, v5;
	v9 =	vadd.f32 v9, v8  }
0x62: {  	v8 =	vshll.u32 v11, $0x10;
	v10 =	vand.u32 $0xFFFF0000, v11;
	s16 =	sadd.s32 $0x400, s16;
	v5 =	vld.idx.msk [tilespmem:v12+s2+$0x0], $0xffff  }
0x63: {  	_ =	sdelay $0x1  }
0x64: {  	v7 =	vadd.f32 v8, v7  }
0x65: {  	v8 =	vadd.f32 v10, v9;
	v9 =	vshll.u32 v6, $0x10  }
0x66: {  	v6 =	vand.u32 $0xFFFF0000, v6;
	v3 =	vld.idx.msk [tilespmem:v3+s2+$0x0], $0xffff;
	v7 =	vadd.f32 v9, v7  }
0x67: {  	v6 =	vadd.f32 v6, v8;
	v8 =	vshll.u32 v4, $0x10  }
0x68: {  	v2 =	vld.idx.msk [tilespmem:v2+s2+$0x0], $0xffff;
	v4 =	vand.u32 $0xFFFF0000, v4;
	v7 =	vadd.f32 v8, v7  }
0x69: {  	v4 =	vadd.f32 v4, v6;
	v6 =	vshll.u32 v5, $0x10  }
0x6a: {  	v1 =	vld.idx.msk [tilespmem:v1+s2+$0x0], $0xffff;
	v5 =	vand.u32 $0xFFFF0000, v5;
	v6 =	vadd.f32 v6, v7  }
0x6b: {  	v4 =	vadd.f32 v5, v4;
	v5 =	vshll.u32 v3, $0x10  }
0x6c: {  	v0 =	vld.idx.msk [tilespmem:v0+s2+$0x0], $0xffff;
	v3 =	vand.u32 $0xFFFF0000, v3;
	v5 =	vadd.f32 v5, v6  }
0x6d: {  	v3 =	vadd.f32 v3, v4;
	v4 =	vshll.u32 v2, $0x10  }
0x6e: {  	v2 =	vand.u32 $0xFFFF0000, v2;
	v4 =	vadd.f32 v4, v5  }
0x6f: {  	v2 =	vadd.f32 v2, v3;
	v3 =	vshll.u32 v1, $0x10  }
0x70: {  	v1 =	vand.u32 $0xFFFF0000, v1;
	v3 =	vadd.f32 v3, v4  }
0x71: {  	v1 =	vadd.f32 v1, v2;
	v2 =	vshll.u32 v0, $0x10  }
0x72: {  	v0 =	vand.u32 $0xFFFF0000, v0;
	v2 =	vadd.f32 v2, v3  }
0x73: {  	v0 =	vadd.f32 v0, v1  }
0x74: {  	v1 =	vmul.f32 $4.999999890e-03, v2  }
0x75: {  	v0 =	vmul.f32 $4.999999890e-03, v0  }
0x76: {  	[tilespmem:$0x1EB10] =	vst v1  }
0x77: {  	s15 =	simm.s32 $0x18920;
	[tilespmem:$0x1EB90] =	vst v0  }
0x78: {  	v0 =	vld [tilespmem:s15+$0xFFFFFE00]  }
0x79: {  	v1 =	vld [tilespmem:s15+$0xFFFFFE80];
	_ =	sdelay $0x1  }
0x7a: {  	v4 =	vld [tilespmem:s15+$0xFFFFFF00];
	_ =	sdelay $0x1  }
0x7b: {  	v5 =	vld [tilespmem:s15+$0xFFFFFF80]  }
0x7c: {  	v3 =	vld [tilespmem:s15+$0x0]  }
0x7d: {  	v2 =	vld [tilespmem:s15+$0x80]  }
0x7e: {  	v9 =	vld.idx.msk [tilespmem:v0+s2+$0x0], $0xffff  }
0x7f: {  	v6 =	vld.idx.msk [tilespmem:v1+s2+$0x0], $0xffff  }
0x80: {  	v1 =	vld [tilespmem:s15+$0x100]  }
0x81: {  	v4 =	vld.idx.msk [tilespmem:v4+s2+$0x0], $0xffff  }
0x82: {  	v7 =	vimm.f32 $0.0e+00;
	v0 =	vld [tilespmem:s15+$0x180]  }
0x83: {  	s16 =	simm.s32 $0x18D20;
	s15 =	simm.s32 $0x0;
	v5 =	vld.idx.msk [tilespmem:v5+s2+$0x0], $0xffff;
	v8 =	vshll.u32 v9, $0x10;
	v10 =	vand.u32 $0xFFFF0000, v9;
	v9 =	vimm.f32 $0.0e+00  }
.LBB2_6:
0x84: {  	v11 =	vld [tilespmem:s16+$0xFFFFFE00];
	v7 =	vadd.f32 v8, v7;
	v8 =	vadd.f32 v10, v9  }
0x85: {  	s15 =	sadd.s32 $0x8, s15;
	v9 =	vshll.u32 v6, $0x10;
	v6 =	vand.u32 $0xFFFF0000, v6;
	v3 =	vld.idx.msk [tilespmem:v3+s2+$0x0], $0xffff  }
0x86: {  	p0 =	slt.u32 s15, $0xC0;
	v10 =	vld [tilespmem:s16+$0xFFFFFE80];
	v7 =	vadd.f32 v9, v7;
	v6 =	vadd.f32 v6, v8  }
0x87: {  	v8 =	vshll.u32 v4, $0x10;
	v4 =	vand.u32 $0xFFFF0000, v4;
	v2 =	vld.idx.msk [tilespmem:v2+s2+$0x0], $0xffff  }
0x88: {  	v9 =	vld [tilespmem:s16+$0xFFFFFF00];
	v7 =	vadd.f32 v8, v7;
	v4 =	vadd.f32 v4, v6  }
0x89: {  	v6 =	vshll.u32 v5, $0x10;
	v5 =	vand.u32 $0xFFFF0000, v5;
	v1 =	vld.idx.msk [tilespmem:v1+s2+$0x0], $0xffff  }
0x8a: {  	v12 =	vld [tilespmem:s16+$0xFFFFFF80];
	v6 =	vadd.f32 v6, v7;
	v4 =	vadd.f32 v5, v4  }
0x8b: {  	v5 =	vshll.u32 v3, $0x10;
	v7 =	vand.u32 $0xFFFF0000, v3;
	v0 =	vld.idx.msk [tilespmem:v0+s2+$0x0], $0xffff  }
0x8c: {  	v3 =	vld [tilespmem:s16+$0x0];
	v5 =	vadd.f32 v5, v6;
	v4 =	vadd.f32 v7, v4  }
0x8d: {  	v6 =	vshll.u32 v2, $0x10;
	v7 =	vand.u32 $0xFFFF0000, v2;
	v11 =	vld.idx.msk [tilespmem:v11+s2+$0x0], $0xffff  }
0x8e: {  	v2 =	vld [tilespmem:s16+$0x80];
	v5 =	vadd.f32 v6, v5;
	v4 =	vadd.f32 v7, v4  }
.Ltmp2:
0x8f: {  	v7 =	vshll.u32 v1, $0x10;
	v8 =	vand.u32 $0xFFFF0000, v1;
	v6 =	vld.idx.msk [tilespmem:v10+s2+$0x0], $0xffff;
	(pc) =	sbr.rel @p0 .LBB2_6-.Ltmp2, $4  }
0x90: {  	v1 =	vld [tilespmem:s16+$0x100];
	v5 =	vadd.f32 v7, v5;
	v8 =	vadd.f32 v8, v4  }
0x91: {  	v7 =	vshll.u32 v0, $0x10;
	v4 =	vld.idx.msk [tilespmem:v9+s2+$0x0], $0xffff;
	v9 =	vand.u32 $0xFFFF0000, v0  }
0x92: {  	v0 =	vld [tilespmem:s16+$0x180];
	v7 =	vadd.f32 v7, v5;
	v9 =	vadd.f32 v9, v8  }
0x93: {  	v8 =	vshll.u32 v11, $0x10;
	v10 =	vand.u32 $0xFFFF0000, v11;
	s16 =	sadd.s32 $0x400, s16;
	v5 =	vld.idx.msk [tilespmem:v12+s2+$0x0], $0xffff  }
0x94: {  	_ =	sdelay $0x1  }
0x95: {  	v7 =	vadd.f32 v8, v7  }
0x96: {  	v8 =	vadd.f32 v10, v9;
	v9 =	vshll.u32 v6, $0x10  }
0x97: {  	v6 =	vand.u32 $0xFFFF0000, v6;
	v3 =	vld.idx.msk [tilespmem:v3+s2+$0x0], $0xffff;
	v7 =	vadd.f32 v9, v7  }
0x98: {  	v6 =	vadd.f32 v6, v8;
	v8 =	vshll.u32 v4, $0x10  }
0x99: {  	v2 =	vld.idx.msk [tilespmem:v2+s2+$0x0], $0xffff;
	v4 =	vand.u32 $0xFFFF0000, v4;
	v7 =	vadd.f32 v8, v7  }
0x9a: {  	v4 =	vadd.f32 v4, v6;
	v6 =	vshll.u32 v5, $0x10  }
0x9b: {  	v1 =	vld.idx.msk [tilespmem:v1+s2+$0x0], $0xffff;
	v5 =	vand.u32 $0xFFFF0000, v5;
	v6 =	vadd.f32 v6, v7  }
0x9c: {  	v4 =	vadd.f32 v5, v4;
	v5 =	vshll.u32 v3, $0x10  }
0x9d: {  	v0 =	vld.idx.msk [tilespmem:v0+s2+$0x0], $0xffff;
	v3 =	vand.u32 $0xFFFF0000, v3;
	v5 =	vadd.f32 v5, v6  }
0x9e: {  	v3 =	vadd.f32 v3, v4;
	v4 =	vshll.u32 v2, $0x10  }
0x9f: {  	v2 =	vand.u32 $0xFFFF0000, v2;
	v4 =	vadd.f32 v4, v5  }
0xa0: {  	v2 =	vadd.f32 v2, v3;
	v3 =	vshll.u32 v1, $0x10  }
0xa1: {  	v1 =	vand.u32 $0xFFFF0000, v1;
	v3 =	vadd.f32 v3, v4  }
0xa2: {  	v1 =	vadd.f32 v1, v2;
	v2 =	vshll.u32 v0, $0x10  }
0xa3: {  	v0 =	vand.u32 $0xFFFF0000, v0;
	v2 =	vadd.f32 v2, v3  }
0xa4: {  	v0 =	vadd.f32 v0, v1  }
0xa5: {  	v1 =	vmul.f32 $4.999999890e-03, v2  }
0xa6: {  	v0 =	vmul.f32 $4.999999890e-03, v0  }
0xa7: {  	[tilespmem:$0x1EB20] =	vst v1  }
0xa8: {  	s15 =	simm.s32 $0x18930;
	[tilespmem:$0x1EBA0] =	vst v0  }
0xa9: {  	v0 =	vld [tilespmem:s15+$0xFFFFFE00]  }
0xaa: {  	v1 =	vld [tilespmem:s15+$0xFFFFFE80];
	_ =	sdelay $0x1  }
0xab: {  	v4 =	vld [tilespmem:s15+$0xFFFFFF00];
	_ =	sdelay $0x1  }
0xac: {  	v5 =	vld [tilespmem:s15+$0xFFFFFF80]  }
0xad: {  	v3 =	vld [tilespmem:s15+$0x0]  }
0xae: {  	v2 =	vld [tilespmem:s15+$0x80]  }
0xaf: {  	v9 =	vld.idx.msk [tilespmem:v0+s2+$0x0], $0xffff  }
0xb0: {  	v6 =	vld.idx.msk [tilespmem:v1+s2+$0x0], $0xffff  }
0xb1: {  	v1 =	vld [tilespmem:s15+$0x100]  }
0xb2: {  	v4 =	vld.idx.msk [tilespmem:v4+s2+$0x0], $0xffff  }
0xb3: {  	v7 =	vimm.f32 $0.0e+00;
	v0 =	vld [tilespmem:s15+$0x180]  }
0xb4: {  	s16 =	simm.s32 $0x18D30;
	s15 =	simm.s32 $0x0;
	v5 =	vld.idx.msk [tilespmem:v5+s2+$0x0], $0xffff;
	v8 =	vshll.u32 v9, $0x10;
	v10 =	vand.u32 $0xFFFF0000, v9;
	v9 =	vimm.f32 $0.0e+00  }
.LBB2_8:
0xb5: {  	v11 =	vld [tilespmem:s16+$0xFFFFFE00];
	v7 =	vadd.f32 v8, v7;
	v8 =	vadd.f32 v10, v9  }
0xb6: {  	s15 =	sadd.s32 $0x8, s15;
	v9 =	vshll.u32 v6, $0x10;
	v6 =	vand.u32 $0xFFFF0000, v6;
	v3 =	vld.idx.msk [tilespmem:v3+s2+$0x0], $0xffff  }
0xb7: {  	p0 =	slt.u32 s15, $0xC0;
	v10 =	vld [tilespmem:s16+$0xFFFFFE80];
	v7 =	vadd.f32 v9, v7;
	v6 =	vadd.f32 v6, v8  }
0xb8: {  	v8 =	vshll.u32 v4, $0x10;
	v4 =	vand.u32 $0xFFFF0000, v4;
	v2 =	vld.idx.msk [tilespmem:v2+s2+$0x0], $0xffff  }
0xb9: {  	v9 =	vld [tilespmem:s16+$0xFFFFFF00];
	v7 =	vadd.f32 v8, v7;
	v4 =	vadd.f32 v4, v6  }
0xba: {  	v6 =	vshll.u32 v5, $0x10;
	v5 =	vand.u32 $0xFFFF0000, v5;
	v1 =	vld.idx.msk [tilespmem:v1+s2+$0x0], $0xffff  }
0xbb: {  	v12 =	vld [tilespmem:s16+$0xFFFFFF80];
	v6 =	vadd.f32 v6, v7;
	v4 =	vadd.f32 v5, v4  }
0xbc: {  	v5 =	vshll.u32 v3, $0x10;
	v7 =	vand.u32 $0xFFFF0000, v3;
	v0 =	vld.idx.msk [tilespmem:v0+s2+$0x0], $0xffff  }
0xbd: {  	v3 =	vld [tilespmem:s16+$0x0];
	v5 =	vadd.f32 v5, v6;
	v4 =	vadd.f32 v7, v4  }
0xbe: {  	v6 =	vshll.u32 v2, $0x10;
	v7 =	vand.u32 $0xFFFF0000, v2;
	v11 =	vld.idx.msk [tilespmem:v11+s2+$0x0], $0xffff  }
0xbf: {  	v2 =	vld [tilespmem:s16+$0x80];
	v5 =	vadd.f32 v6, v5;
	v4 =	vadd.f32 v7, v4  }
.Ltmp3:
0xc0: {  	v7 =	vshll.u32 v1, $0x10;
	v8 =	vand.u32 $0xFFFF0000, v1;
	v6 =	vld.idx.msk [tilespmem:v10+s2+$0x0], $0xffff;
	(pc) =	sbr.rel @p0 .LBB2_8-.Ltmp3, $4  }
0xc1: {  	v1 =	vld [tilespmem:s16+$0x100];
	v5 =	vadd.f32 v7, v5;
	v8 =	vadd.f32 v8, v4  }
0xc2: {  	v7 =	vshll.u32 v0, $0x10;
	v4 =	vld.idx.msk [tilespmem:v9+s2+$0x0], $0xffff;
	v9 =	vand.u32 $0xFFFF0000, v0  }
0xc3: {  	v0 =	vld [tilespmem:s16+$0x180];
	v7 =	vadd.f32 v7, v5;
	v9 =	vadd.f32 v9, v8  }
0xc4: {  	v8 =	vshll.u32 v11, $0x10;
	v10 =	vand.u32 $0xFFFF0000, v11;
	s16 =	sadd.s32 $0x400, s16;
	v5 =	vld.idx.msk [tilespmem:v12+s2+$0x0], $0xffff  }
0xc5: {  	_ =	sdelay $0x1  }
0xc6: {  	v7 =	vadd.f32 v8, v7  }
0xc7: {  	v8 =	vadd.f32 v10, v9;
	v9 =	vshll.u32 v6, $0x10  }
0xc8: {  	v6 =	vand.u32 $0xFFFF0000, v6;
	v3 =	vld.idx.msk [tilespmem:v3+s2+$0x0], $0xffff;
	v7 =	vadd.f32 v9, v7  }
0xc9: {  	v6 =	vadd.f32 v6, v8;
	v8 =	vshll.u32 v4, $0x10  }
0xca: {  	v2 =	vld.idx.msk [tilespmem:v2+s2+$0x0], $0xffff;
	v4 =	vand.u32 $0xFFFF0000, v4;
	v7 =	vadd.f32 v8, v7  }
0xcb: {  	v4 =	vadd.f32 v4, v6;
	v6 =	vshll.u32 v5, $0x10  }
0xcc: {  	v1 =	vld.idx.msk [tilespmem:v1+s2+$0x0], $0xffff;
	v5 =	vand.u32 $0xFFFF0000, v5;
	v6 =	vadd.f32 v6, v7  }
0xcd: {  	v4 =	vadd.f32 v5, v4;
	v5 =	vshll.u32 v3, $0x10  }
0xce: {  	v0 =	vld.idx.msk [tilespmem:v0+s2+$0x0], $0xffff;
	v3 =	vand.u32 $0xFFFF0000, v3;
	v5 =	vadd.f32 v5, v6  }
0xcf: {  	v3 =	vadd.f32 v3, v4;
	v4 =	vshll.u32 v2, $0x10  }
0xd0: {  	v2 =	vand.u32 $0xFFFF0000, v2;
	v4 =	vadd.f32 v4, v5  }
0xd1: {  	v2 =	vadd.f32 v2, v3;
	v3 =	vshll.u32 v1, $0x10  }
0xd2: {  	v1 =	vand.u32 $0xFFFF0000, v1;
	v3 =	vadd.f32 v3, v4  }
0xd3: {  	v1 =	vadd.f32 v1, v2;
	v2 =	vshll.u32 v0, $0x10  }
0xd4: {  	v0 =	vand.u32 $0xFFFF0000, v0;
	v2 =	vadd.f32 v2, v3  }
0xd5: {  	v0 =	vadd.f32 v0, v1  }
0xd6: {  	v1 =	vmul.f32 $4.999999890e-03, v2  }
0xd7: {  	v0 =	vmul.f32 $4.999999890e-03, v0  }
0xd8: {  	[tilespmem:$0x1EB30] =	vst v1  }
0xd9: {  	s15 =	simm.s32 $0x18940;
	[tilespmem:$0x1EBB0] =	vst v0  }
0xda: {  	v0 =	vld [tilespmem:s15+$0xFFFFFE00]  }
0xdb: {  	v1 =	vld [tilespmem:s15+$0xFFFFFE80];
	_ =	sdelay $0x1  }
0xdc: {  	v4 =	vld [tilespmem:s15+$0xFFFFFF00];
	_ =	sdelay $0x1  }
0xdd: {  	v5 =	vld [tilespmem:s15+$0xFFFFFF80]  }
0xde: {  	v3 =	vld [tilespmem:s15+$0x0]  }
0xdf: {  	v2 =	vld [tilespmem:s15+$0x80]  }
0xe0: {  	v9 =	vld.idx.msk [tilespmem:v0+s2+$0x0], $0xffff  }
0xe1: {  	v6 =	vld.idx.msk [tilespmem:v1+s2+$0x0], $0xffff  }
0xe2: {  	v1 =	vld [tilespmem:s15+$0x100]  }
0xe3: {  	v4 =	vld.idx.msk [tilespmem:v4+s2+$0x0], $0xffff  }
0xe4: {  	v7 =	vimm.f32 $0.0e+00;
	v0 =	vld [tilespmem:s15+$0x180]  }
0xe5: {  	s16 =	simm.s32 $0x18D40;
	s15 =	simm.s32 $0x0;
	v5 =	vld.idx.msk [tilespmem:v5+s2+$0x0], $0xffff;
	v8 =	vshll.u32 v9, $0x10;
	v10 =	vand.u32 $0xFFFF0000, v9;
	v9 =	vimm.f32 $0.0e+00  }
.LBB2_10:
0xe6: {  	v11 =	vld [tilespmem:s16+$0xFFFFFE00];
	v7 =	vadd.f32 v8, v7;
	v8 =	vadd.f32 v10, v9  }
0xe7: {  	s15 =	sadd.s32 $0x8, s15;
	v9 =	vshll.u32 v6, $0x10;
	v6 =	vand.u32 $0xFFFF0000, v6;
	v3 =	vld.idx.msk [tilespmem:v3+s2+$0x0], $0xffff  }
0xe8: {  	p0 =	slt.u32 s15, $0xC0;
	v10 =	vld [tilespmem:s16+$0xFFFFFE80];
	v7 =	vadd.f32 v9, v7;
	v6 =	vadd.f32 v6, v8  }
0xe9: {  	v8 =	vshll.u32 v4, $0x10;
	v4 =	vand.u32 $0xFFFF0000, v4;
	v2 =	vld.idx.msk [tilespmem:v2+s2+$0x0], $0xffff  }
0xea: {  	v9 =	vld [tilespmem:s16+$0xFFFFFF00];
	v7 =	vadd.f32 v8, v7;
	v4 =	vadd.f32 v4, v6  }
0xeb: {  	v6 =	vshll.u32 v5, $0x10;
	v5 =	vand.u32 $0xFFFF0000, v5;
	v1 =	vld.idx.msk [tilespmem:v1+s2+$0x0], $0xffff  }
0xec: {  	v12 =	vld [tilespmem:s16+$0xFFFFFF80];
	v6 =	vadd.f32 v6, v7;
	v4 =	vadd.f32 v5, v4  }
0xed: {  	v5 =	vshll.u32 v3, $0x10;
	v7 =	vand.u32 $0xFFFF0000, v3;
	v0 =	vld.idx.msk [tilespmem:v0+s2+$0x0], $0xffff  }
0xee: {  	v3 =	vld [tilespmem:s16+$0x0];
	v5 =	vadd.f32 v5, v6;
	v4 =	vadd.f32 v7, v4  }
0xef: {  	v6 =	vshll.u32 v2, $0x10;
	v7 =	vand.u32 $0xFFFF0000, v2;
	v11 =	vld.idx.msk [tilespmem:v11+s2+$0x0], $0xffff  }
0xf0: {  	v2 =	vld [tilespmem:s16+$0x80];
	v5 =	vadd.f32 v6, v5;
	v4 =	vadd.f32 v7, v4  }
.Ltmp4:
0xf1: {  	v7 =	vshll.u32 v1, $0x10;
	v8 =	vand.u32 $0xFFFF0000, v1;
	v6 =	vld.idx.msk [tilespmem:v10+s2+$0x0], $0xffff;
	(pc) =	sbr.rel @p0 .LBB2_10-.Ltmp4, $4  }
0xf2: {  	v1 =	vld [tilespmem:s16+$0x100];
	v5 =	vadd.f32 v7, v5;
	v8 =	vadd.f32 v8, v4  }
0xf3: {  	v7 =	vshll.u32 v0, $0x10;
	v4 =	vld.idx.msk [tilespmem:v9+s2+$0x0], $0xffff;
	v9 =	vand.u32 $0xFFFF0000, v0  }
0xf4: {  	v0 =	vld [tilespmem:s16+$0x180];
	v7 =	vadd.f32 v7, v5;
	v9 =	vadd.f32 v9, v8  }
0xf5: {  	v8 =	vshll.u32 v11, $0x10;
	v10 =	vand.u32 $0xFFFF0000, v11;
	s16 =	sadd.s32 $0x400, s16;
	v5 =	vld.idx.msk [tilespmem:v12+s2+$0x0], $0xffff  }
0xf6: {  	_ =	sdelay $0x1  }
0xf7: {  	v7 =	vadd.f32 v8, v7  }
0xf8: {  	v8 =	vadd.f32 v10, v9;
	v9 =	vshll.u32 v6, $0x10  }
0xf9: {  	v6 =	vand.u32 $0xFFFF0000, v6;
	v3 =	vld.idx.msk [tilespmem:v3+s2+$0x0], $0xffff;
	v7 =	vadd.f32 v9, v7  }
0xfa: {  	v6 =	vadd.f32 v6, v8;
	v8 =	vshll.u32 v4, $0x10  }
0xfb: {  	v2 =	vld.idx.msk [tilespmem:v2+s2+$0x0], $0xffff;
	v4 =	vand.u32 $0xFFFF0000, v4;
	v7 =	vadd.f32 v8, v7  }
0xfc: {  	v4 =	vadd.f32 v4, v6;
	v6 =	vshll.u32 v5, $0x10  }
0xfd: {  	v1 =	vld.idx.msk [tilespmem:v1+s2+$0x0], $0xffff;
	v5 =	vand.u32 $0xFFFF0000, v5;
	v6 =	vadd.f32 v6, v7  }
0xfe: {  	v4 =	vadd.f32 v5, v4;
	v5 =	vshll.u32 v3, $0x10  }
0xff: {  	v0 =	vld.idx.msk [tilespmem:v0+s2+$0x0], $0xffff;
	v3 =	vand.u32 $0xFFFF0000, v3;
	v5 =	vadd.f32 v5, v6  }
0x100: {  	v3 =	vadd.f32 v3, v4;
	v4 =	vshll.u32 v2, $0x10  }
0x101: {  	v2 =	vand.u32 $0xFFFF0000, v2;
	v4 =	vadd.f32 v4, v5  }
0x102: {  	v2 =	vadd.f32 v2, v3;
	v3 =	vshll.u32 v1, $0x10  }
0x103: {  	v1 =	vand.u32 $0xFFFF0000, v1;
	v3 =	vadd.f32 v3, v4  }
0x104: {  	v1 =	vadd.f32 v1, v2;
	v2 =	vshll.u32 v0, $0x10  }
0x105: {  	v0 =	vand.u32 $0xFFFF0000, v0;
	v2 =	vadd.f32 v2, v3  }
0x106: {  	v0 =	vadd.f32 v0, v1  }
0x107: {  	v1 =	vmul.f32 $4.999999890e-03, v2  }
0x108: {  	v0 =	vmul.f32 $4.999999890e-03, v0  }
0x109: {  	[tilespmem:$0x1EB40] =	vst v1  }
0x10a: {  	s15 =	simm.s32 $0x18950;
	[tilespmem:$0x1EBC0] =	vst v0  }
0x10b: {  	v0 =	vld [tilespmem:s15+$0xFFFFFE00]  }
0x10c: {  	v1 =	vld [tilespmem:s15+$0xFFFFFE80];
	_ =	sdelay $0x1  }
0x10d: {  	v4 =	vld [tilespmem:s15+$0xFFFFFF00];
	_ =	sdelay $0x1  }
0x10e: {  	v5 =	vld [tilespmem:s15+$0xFFFFFF80]  }
0x10f: {  	v3 =	vld [tilespmem:s15+$0x0]  }
0x110: {  	v2 =	vld [tilespmem:s15+$0x80]  }
0x111: {  	v9 =	vld.idx.msk [tilespmem:v0+s2+$0x0], $0xffff  }
0x112: {  	v6 =	vld.idx.msk [tilespmem:v1+s2+$0x0], $0xffff  }
0x113: {  	v1 =	vld [tilespmem:s15+$0x100]  }
0x114: {  	v4 =	vld.idx.msk [tilespmem:v4+s2+$0x0], $0xffff  }
0x115: {  	v7 =	vimm.f32 $0.0e+00;
	v0 =	vld [tilespmem:s15+$0x180]  }
0x116: {  	s16 =	simm.s32 $0x18D50;
	s15 =	simm.s32 $0x0;
	v5 =	vld.idx.msk [tilespmem:v5+s2+$0x0], $0xffff;
	v8 =	vshll.u32 v9, $0x10;
	v10 =	vand.u32 $0xFFFF0000, v9;
	v9 =	vimm.f32 $0.0e+00  }
.LBB2_12:
0x117: {  	v11 =	vld [tilespmem:s16+$0xFFFFFE00];
	v7 =	vadd.f32 v8, v7;
	v8 =	vadd.f32 v10, v9  }
0x118: {  	s15 =	sadd.s32 $0x8, s15;
	v9 =	vshll.u32 v6, $0x10;
	v6 =	vand.u32 $0xFFFF0000, v6;
	v3 =	vld.idx.msk [tilespmem:v3+s2+$0x0], $0xffff  }
0x119: {  	p0 =	slt.u32 s15, $0xC0;
	v10 =	vld [tilespmem:s16+$0xFFFFFE80];
	v7 =	vadd.f32 v9, v7;
	v6 =	vadd.f32 v6, v8  }
0x11a: {  	v8 =	vshll.u32 v4, $0x10;
	v4 =	vand.u32 $0xFFFF0000, v4;
	v2 =	vld.idx.msk [tilespmem:v2+s2+$0x0], $0xffff  }
0x11b: {  	v9 =	vld [tilespmem:s16+$0xFFFFFF00];
	v7 =	vadd.f32 v8, v7;
	v4 =	vadd.f32 v4, v6  }
0x11c: {  	v6 =	vshll.u32 v5, $0x10;
	v5 =	vand.u32 $0xFFFF0000, v5;
	v1 =	vld.idx.msk [tilespmem:v1+s2+$0x0], $0xffff  }
0x11d: {  	v12 =	vld [tilespmem:s16+$0xFFFFFF80];
	v6 =	vadd.f32 v6, v7;
	v4 =	vadd.f32 v5, v4  }
0x11e: {  	v5 =	vshll.u32 v3, $0x10;
	v7 =	vand.u32 $0xFFFF0000, v3;
	v0 =	vld.idx.msk [tilespmem:v0+s2+$0x0], $0xffff  }
0x11f: {  	v3 =	vld [tilespmem:s16+$0x0];
	v5 =	vadd.f32 v5, v6;
	v4 =	vadd.f32 v7, v4  }
0x120: {  	v6 =	vshll.u32 v2, $0x10;
	v7 =	vand.u32 $0xFFFF0000, v2;
	v11 =	vld.idx.msk [tilespmem:v11+s2+$0x0], $0xffff  }
0x121: {  	v2 =	vld [tilespmem:s16+$0x80];
	v5 =	vadd.f32 v6, v5;
	v4 =	vadd.f32 v7, v4  }
.Ltmp5:
0x122: {  	v7 =	vshll.u32 v1, $0x10;
	v8 =	vand.u32 $0xFFFF0000, v1;
	v6 =	vld.idx.msk [tilespmem:v10+s2+$0x0], $0xffff;
	(pc) =	sbr.rel @p0 .LBB2_12-.Ltmp5, $4  }
0x123: {  	v1 =	vld [tilespmem:s16+$0x100];
	v5 =	vadd.f32 v7, v5;
	v8 =	vadd.f32 v8, v4  }
0x124: {  	v7 =	vshll.u32 v0, $0x10;
	v4 =	vld.idx.msk [tilespmem:v9+s2+$0x0], $0xffff;
	v9 =	vand.u32 $0xFFFF0000, v0  }
0x125: {  	v0 =	vld [tilespmem:s16+$0x180];
	v7 =	vadd.f32 v7, v5;
	v9 =	vadd.f32 v9, v8  }
0x126: {  	v8 =	vshll.u32 v11, $0x10;
	v10 =	vand.u32 $0xFFFF0000, v11;
	s16 =	sadd.s32 $0x400, s16;
	v5 =	vld.idx.msk [tilespmem:v12+s2+$0x0], $0xffff  }
0x127: {  	_ =	sdelay $0x1  }
0x128: {  	v7 =	vadd.f32 v8, v7  }
0x129: {  	v8 =	vadd.f32 v10, v9;
	v9 =	vshll.u32 v6, $0x10  }
0x12a: {  	v6 =	vand.u32 $0xFFFF0000, v6;
	v3 =	vld.idx.msk [tilespmem:v3+s2+$0x0], $0xffff;
	v7 =	vadd.f32 v9, v7  }
0x12b: {  	v6 =	vadd.f32 v6, v8;
	v8 =	vshll.u32 v4, $0x10  }
0x12c: {  	v2 =	vld.idx.msk [tilespmem:v2+s2+$0x0], $0xffff;
	v4 =	vand.u32 $0xFFFF0000, v4;
	v7 =	vadd.f32 v8, v7  }
0x12d: {  	v4 =	vadd.f32 v4, v6;
	v6 =	vshll.u32 v5, $0x10  }
0x12e: {  	v1 =	vld.idx.msk [tilespmem:v1+s2+$0x0], $0xffff;
	v5 =	vand.u32 $0xFFFF0000, v5;
	v6 =	vadd.f32 v6, v7  }
0x12f: {  	v4 =	vadd.f32 v5, v4;
	v5 =	vshll.u32 v3, $0x10  }
0x130: {  	v0 =	vld.idx.msk [tilespmem:v0+s2+$0x0], $0xffff;
	v3 =	vand.u32 $0xFFFF0000, v3;
	v5 =	vadd.f32 v5, v6  }
0x131: {  	v3 =	vadd.f32 v3, v4;
	v4 =	vshll.u32 v2, $0x10  }
0x132: {  	v2 =	vand.u32 $0xFFFF0000, v2;
	v4 =	vadd.f32 v4, v5  }
0x133: {  	v2 =	vadd.f32 v2, v3;
	v3 =	vshll.u32 v1, $0x10  }
0x134: {  	v1 =	vand.u32 $0xFFFF0000, v1;
	v3 =	vadd.f32 v3, v4  }
0x135: {  	v1 =	vadd.f32 v1, v2;
	v2 =	vshll.u32 v0, $0x10  }
0x136: {  	v0 =	vand.u32 $0xFFFF0000, v0;
	v2 =	vadd.f32 v2, v3  }
0x137: {  	v0 =	vadd.f32 v0, v1  }
0x138: {  	v1 =	vmul.f32 $4.999999890e-03, v2  }
0x139: {  	v0 =	vmul.f32 $4.999999890e-03, v0  }
0x13a: {  	[tilespmem:$0x1EB50] =	vst v1  }
0x13b: {  	s15 =	simm.s32 $0x18960;
	[tilespmem:$0x1EBD0] =	vst v0  }
0x13c: {  	v0 =	vld [tilespmem:s15+$0xFFFFFE00]  }
0x13d: {  	v1 =	vld [tilespmem:s15+$0xFFFFFE80];
	_ =	sdelay $0x1  }
0x13e: {  	v4 =	vld [tilespmem:s15+$0xFFFFFF00];
	_ =	sdelay $0x1  }
0x13f: {  	v5 =	vld [tilespmem:s15+$0xFFFFFF80]  }
0x140: {  	v3 =	vld [tilespmem:s15+$0x0]  }
0x141: {  	v2 =	vld [tilespmem:s15+$0x80]  }
0x142: {  	v9 =	vld.idx.msk [tilespmem:v0+s2+$0x0], $0xffff  }
0x143: {  	v6 =	vld.idx.msk [tilespmem:v1+s2+$0x0], $0xffff  }
0x144: {  	v1 =	vld [tilespmem:s15+$0x100]  }
0x145: {  	v4 =	vld.idx.msk [tilespmem:v4+s2+$0x0], $0xffff  }
0x146: {  	v7 =	vimm.f32 $0.0e+00;
	v0 =	vld [tilespmem:s15+$0x180]  }
0x147: {  	s16 =	simm.s32 $0x18D60;
	s15 =	simm.s32 $0x0;
	v5 =	vld.idx.msk [tilespmem:v5+s2+$0x0], $0xffff;
	v8 =	vshll.u32 v9, $0x10;
	v10 =	vand.u32 $0xFFFF0000, v9;
	v9 =	vimm.f32 $0.0e+00  }
.LBB2_14:
0x148: {  	v11 =	vld [tilespmem:s16+$0xFFFFFE00];
	v7 =	vadd.f32 v8, v7;
	v8 =	vadd.f32 v10, v9  }
0x149: {  	s15 =	sadd.s32 $0x8, s15;
	v9 =	vshll.u32 v6, $0x10;
	v6 =	vand.u32 $0xFFFF0000, v6;
	v3 =	vld.idx.msk [tilespmem:v3+s2+$0x0], $0xffff  }
0x14a: {  	p0 =	slt.u32 s15, $0xC0;
	v10 =	vld [tilespmem:s16+$0xFFFFFE80];
	v7 =	vadd.f32 v9, v7;
	v6 =	vadd.f32 v6, v8  }
0x14b: {  	v8 =	vshll.u32 v4, $0x10;
	v4 =	vand.u32 $0xFFFF0000, v4;
	v2 =	vld.idx.msk [tilespmem:v2+s2+$0x0], $0xffff  }
0x14c: {  	v9 =	vld [tilespmem:s16+$0xFFFFFF00];
	v7 =	vadd.f32 v8, v7;
	v4 =	vadd.f32 v4, v6  }
0x14d: {  	v6 =	vshll.u32 v5, $0x10;
	v5 =	vand.u32 $0xFFFF0000, v5;
	v1 =	vld.idx.msk [tilespmem:v1+s2+$0x0], $0xffff  }
0x14e: {  	v12 =	vld [tilespmem:s16+$0xFFFFFF80];
	v6 =	vadd.f32 v6, v7;
	v4 =	vadd.f32 v5, v4  }
0x14f: {  	v5 =	vshll.u32 v3, $0x10;
	v7 =	vand.u32 $0xFFFF0000, v3;
	v0 =	vld.idx.msk [tilespmem:v0+s2+$0x0], $0xffff  }
0x150: {  	v3 =	vld [tilespmem:s16+$0x0];
	v5 =	vadd.f32 v5, v6;
	v4 =	vadd.f32 v7, v4  }
0x151: {  	v6 =	vshll.u32 v2, $0x10;
	v7 =	vand.u32 $0xFFFF0000, v2;
	v11 =	vld.idx.msk [tilespmem:v11+s2+$0x0], $0xffff  }
0x152: {  	v2 =	vld [tilespmem:s16+$0x80];
	v5 =	vadd.f32 v6, v5;
	v4 =	vadd.f32 v7, v4  }
.Ltmp6:
0x153: {  	v7 =	vshll.u32 v1, $0x10;
	v8 =	vand.u32 $0xFFFF0000, v1;
	v6 =	vld.idx.msk [tilespmem:v10+s2+$0x0], $0xffff;
	(pc) =	sbr.rel @p0 .LBB2_14-.Ltmp6, $4  }
0x154: {  	v1 =	vld [tilespmem:s16+$0x100];
	v5 =	vadd.f32 v7, v5;
	v8 =	vadd.f32 v8, v4  }
0x155: {  	v7 =	vshll.u32 v0, $0x10;
	v4 =	vld.idx.msk [tilespmem:v9+s2+$0x0], $0xffff;
	v9 =	vand.u32 $0xFFFF0000, v0  }
0x156: {  	v0 =	vld [tilespmem:s16+$0x180];
	v7 =	vadd.f32 v7, v5;
	v9 =	vadd.f32 v9, v8  }
0x157: {  	v8 =	vshll.u32 v11, $0x10;
	v10 =	vand.u32 $0xFFFF0000, v11;
	s16 =	sadd.s32 $0x400, s16;
	v5 =	vld.idx.msk [tilespmem:v12+s2+$0x0], $0xffff  }
0x158: {  	_ =	sdelay $0x1  }
0x159: {  	v7 =	vadd.f32 v8, v7  }
0x15a: {  	v8 =	vadd.f32 v10, v9;
	v9 =	vshll.u32 v6, $0x10  }
0x15b: {  	v6 =	vand.u32 $0xFFFF0000, v6;
	v3 =	vld.idx.msk [tilespmem:v3+s2+$0x0], $0xffff;
	v7 =	vadd.f32 v9, v7  }
0x15c: {  	v6 =	vadd.f32 v6, v8;
	v8 =	vshll.u32 v4, $0x10  }
0x15d: {  	v2 =	vld.idx.msk [tilespmem:v2+s2+$0x0], $0xffff;
	v4 =	vand.u32 $0xFFFF0000, v4;
	v7 =	vadd.f32 v8, v7  }
0x15e: {  	v4 =	vadd.f32 v4, v6;
	v6 =	vshll.u32 v5, $0x10  }
0x15f: {  	v1 =	vld.idx.msk [tilespmem:v1+s2+$0x0], $0xffff;
	v5 =	vand.u32 $0xFFFF0000, v5;
	v6 =	vadd.f32 v6, v7  }
0x160: {  	v4 =	vadd.f32 v5, v4;
	v5 =	vshll.u32 v3, $0x10  }
0x161: {  	v0 =	vld.idx.msk [tilespmem:v0+s2+$0x0], $0xffff;
	v3 =	vand.u32 $0xFFFF0000, v3;
	v5 =	vadd.f32 v5, v6  }
0x162: {  	v3 =	vadd.f32 v3, v4;
	v4 =	vshll.u32 v2, $0x10  }
0x163: {  	v2 =	vand.u32 $0xFFFF0000, v2;
	v4 =	vadd.f32 v4, v5  }
0x164: {  	v2 =	vadd.f32 v2, v3;
	v3 =	vshll.u32 v1, $0x10  }
0x165: {  	v1 =	vand.u32 $0xFFFF0000, v1;
	v3 =	vadd.f32 v3, v4  }
0x166: {  	v1 =	vadd.f32 v1, v2;
	v2 =	vshll.u32 v0, $0x10  }
0x167: {  	v0 =	vand.u32 $0xFFFF0000, v0;
	v2 =	vadd.f32 v2, v3  }
0x168: {  	v0 =	vadd.f32 v0, v1  }
0x169: {  	v1 =	vmul.f32 $4.999999890e-03, v2  }
0x16a: {  	v0 =	vmul.f32 $4.999999890e-03, v0  }
0x16b: {  	[tilespmem:$0x1EB60] =	vst v1  }
0x16c: {  	s15 =	simm.s32 $0x18970;
	[tilespmem:$0x1EBE0] =	vst v0  }
0x16d: {  	v0 =	vld [tilespmem:s15+$0xFFFFFE00]  }
0x16e: {  	v1 =	vld [tilespmem:s15+$0xFFFFFE80];
	_ =	sdelay $0x1  }
0x16f: {  	v4 =	vld [tilespmem:s15+$0xFFFFFF00];
	_ =	sdelay $0x1  }
0x170: {  	v5 =	vld [tilespmem:s15+$0xFFFFFF80]  }
0x171: {  	v3 =	vld [tilespmem:s15+$0x0]  }
0x172: {  	v2 =	vld [tilespmem:s15+$0x80]  }
0x173: {  	v9 =	vld.idx.msk [tilespmem:v0+s2+$0x0], $0xffff  }
0x174: {  	v6 =	vld.idx.msk [tilespmem:v1+s2+$0x0], $0xffff  }
0x175: {  	v1 =	vld [tilespmem:s15+$0x100]  }
0x176: {  	v4 =	vld.idx.msk [tilespmem:v4+s2+$0x0], $0xffff  }
0x177: {  	v7 =	vimm.f32 $0.0e+00;
	v0 =	vld [tilespmem:s15+$0x180]  }
0x178: {  	s16 =	simm.s32 $0x18D70;
	s15 =	simm.s32 $0x0;
	v5 =	vld.idx.msk [tilespmem:v5+s2+$0x0], $0xffff;
	v8 =	vshll.u32 v9, $0x10;
	v10 =	vand.u32 $0xFFFF0000, v9;
	v9 =	vimm.f32 $0.0e+00  }
.LBB2_16:
0x179: {  	v11 =	vld [tilespmem:s16+$0xFFFFFE00];
	v7 =	vadd.f32 v8, v7;
	v8 =	vadd.f32 v10, v9  }
0x17a: {  	s15 =	sadd.s32 $0x8, s15;
	v9 =	vshll.u32 v6, $0x10;
	v6 =	vand.u32 $0xFFFF0000, v6;
	v3 =	vld.idx.msk [tilespmem:v3+s2+$0x0], $0xffff  }
0x17b: {  	p0 =	slt.u32 s15, $0xC0;
	v10 =	vld [tilespmem:s16+$0xFFFFFE80];
	v7 =	vadd.f32 v9, v7;
	v6 =	vadd.f32 v6, v8  }
0x17c: {  	v8 =	vshll.u32 v4, $0x10;
	v4 =	vand.u32 $0xFFFF0000, v4;
	v2 =	vld.idx.msk [tilespmem:v2+s2+$0x0], $0xffff  }
0x17d: {  	v9 =	vld [tilespmem:s16+$0xFFFFFF00];
	v7 =	vadd.f32 v8, v7;
	v4 =	vadd.f32 v4, v6  }
0x17e: {  	v6 =	vshll.u32 v5, $0x10;
	v5 =	vand.u32 $0xFFFF0000, v5;
	v1 =	vld.idx.msk [tilespmem:v1+s2+$0x0], $0xffff  }
0x17f: {  	v12 =	vld [tilespmem:s16+$0xFFFFFF80];
	v6 =	vadd.f32 v6, v7;
	v4 =	vadd.f32 v5, v4  }
0x180: {  	v5 =	vshll.u32 v3, $0x10;
	v7 =	vand.u32 $0xFFFF0000, v3;
	v0 =	vld.idx.msk [tilespmem:v0+s2+$0x0], $0xffff  }
0x181: {  	v3 =	vld [tilespmem:s16+$0x0];
	v5 =	vadd.f32 v5, v6;
	v4 =	vadd.f32 v7, v4  }
0x182: {  	v6 =	vshll.u32 v2, $0x10;
	v7 =	vand.u32 $0xFFFF0000, v2;
	v11 =	vld.idx.msk [tilespmem:v11+s2+$0x0], $0xffff  }
0x183: {  	v2 =	vld [tilespmem:s16+$0x80];
	v5 =	vadd.f32 v6, v5;
	v4 =	vadd.f32 v7, v4  }
.Ltmp7:
0x184: {  	v7 =	vshll.u32 v1, $0x10;
	v8 =	vand.u32 $0xFFFF0000, v1;
	v6 =	vld.idx.msk [tilespmem:v10+s2+$0x0], $0xffff;
	(pc) =	sbr.rel @p0 .LBB2_16-.Ltmp7, $4  }
0x185: {  	v1 =	vld [tilespmem:s16+$0x100];
	v5 =	vadd.f32 v7, v5;
	v8 =	vadd.f32 v8, v4  }
0x186: {  	v7 =	vshll.u32 v0, $0x10;
	v4 =	vld.idx.msk [tilespmem:v9+s2+$0x0], $0xffff;
	v9 =	vand.u32 $0xFFFF0000, v0  }
0x187: {  	v0 =	vld [tilespmem:s16+$0x180];
	v7 =	vadd.f32 v7, v5;
	v9 =	vadd.f32 v9, v8  }
0x188: {  	v8 =	vshll.u32 v11, $0x10;
	v10 =	vand.u32 $0xFFFF0000, v11;
	s16 =	sadd.s32 $0x400, s16;
	v5 =	vld.idx.msk [tilespmem:v12+s2+$0x0], $0xffff  }
0x189: {  	_ =	sdelay $0x1  }
0x18a: {  	v7 =	vadd.f32 v8, v7  }
0x18b: {  	v52 =	vadd.f32 v10, v9;
	v53 =	vshll.u32 v6, $0x10  }
0x18c: {  	v54 =	vand.u32 $0xFFFF0000, v6;
	v3 =	vld.idx.msk [tilespmem:v3+s2+$0x0], $0xffff;
	v7 =	vadd.f32 v53, v7  }
0x18d: {  	v6 =	vadd.f32 v54, v52;
	v55 =	vshll.u32 v4, $0x10  }
0x18e: {  	v2 =	vld.idx.msk [tilespmem:v2+s2+$0x0], $0xffff;
	v56 =	vand.u32 $0xFFFF0000, v4;
	v7 =	vadd.f32 v55, v7  }
0x18f: {  	v4 =	vadd.f32 v56, v6;
	v57 =	vshll.u32 v5, $0x10  }
0x190: {  	v1 =	vld.idx.msk [tilespmem:v1+s2+$0x0], $0xffff;
	v58 =	vand.u32 $0xFFFF0000, v5;
	v6 =	vadd.f32 v57, v7  }
0x191: {  	v59 =	vshll.u32 v3, $0x10;
	v4 =	vadd.f32 v58, v4  }
0x192: {  	v0 =	vld.idx.msk [tilespmem:v0+s2+$0x0], $0xffff;
	v3 =	vand.u32 $0xFFFF0000, v3;
	v5 =	vadd.f32 v59, v6  }
0x193: {  	v60 =	vshll.u32 v2, $0x10;
	v3 =	vadd.f32 v3, v4  }
0x194: {  	v2 =	vand.u32 $0xFFFF0000, v2;
	v4 =	vadd.f32 v60, v5  }
0x195: {  	v61 =	vshll.u32 v1, $0x10;
	v2 =	vadd.f32 v2, v3  }
0x196: {  	v1 =	vand.u32 $0xFFFF0000, v1;
	v3 =	vadd.f32 v61, v4  }
0x197: {  	v62 =	vshll.u32 v0, $0x10;
	v1 =	vadd.f32 v1, v2  }
0x198: {  	v0 =	vand.u32 $0xFFFF0000, v0;
	v2 =	vadd.f32 v62, v3  }
0x199: {  	v0 =	vadd.f32 v0, v1  }
0x19a: {  	v63 =	vmul.f32 $4.999999890e-03, v2  }
0x19b: {  	s14 =	sadd.s32 $0x1, s14;
	v0 =	vmul.f32 $4.999999890e-03, v0  }
0x19c: {  	p0 =	sne.s32 s14, s6;
	[tilespmem:$0x1EB70] =	vst v63  }
.Ltmp8:
0x19d: {  	[tilespmem:$0x1EBF0] =	vst v0;
	(pc) =	sbr.rel @p0 .LBB2_1-.Ltmp8, $4  }
0x19e: {  	[hbm4b:s5+s2] =	stream.linear.scatter [tilespmem:s12], [sflag:$0x3], $0x100, $0x38;
	[tilespmem:$0x1EC00] =	vst v63  }
0x19f: {  	_ =	swait.ge [sflag:s13], $0x100  }
0x1a0: {  	[sflag:s13] =	ssyncset.done $0x0  }
0x1a1: {  	[sflag:s13] =	ssyncadd.s32 $0xFFFFFF00  }
0x1a2: {  	_ =	sfence.sel $0x180000  }
0x1a3: {  	[bflag:$0x0] =	sbarrier.arrive $0xFFFF  }
0x1a4: {  	p0 =	sne.s32 s1, $0x0;
	_ =	strace $0x90000047  }
0x1a5: {  	s0 =	sadd.s32 @!p0 $0x100000, s0;
	[bflag:$0x2] =	sbarrier.arrive $0xFFFF  }
0x1a6: {  	[sflag:s0] =	ssyncadd.tile.s32 @!p0 $0x1;
	_ =	shalt  }
.Lfunc_end2:
_tile_overlayer_lowered:
.L_overlay_start_2:
0x1a7: {  	(tag) =	ssettag $0x2  }
0x1a8: {  	s0 =	rddreg [dreg:$0x0];
	s2 =	stileid.u32  }
0x1a9: {  	s1 =	rddreg [dreg:$0x1];
	p0 =	sne.s32 s2, $0x0  }
0x1aa: {  	s3 =	rddreg [dreg:$0x2];
	[bflag:$0x3] =	sbarrier.arrive $0xFFFF;
	s2 =	simm.s32 @!p0 $0x1C03  }
0x1ab: {  	[timem:s3], [sflag:s2] =	dma.local @!p0 [hbm:s0], s1  }
0x1ac: {  	s0 =	simm.s32 @!p0 $0x3  }
0x1ad: {  	_ =	swait.ge @!p0 [sflag:s0], s1  }
0x1ae: {  	s1 =	ssub.s32 @!p0 $0x0, s1;
	[sflag:s0] =	ssyncset.done @!p0 $0x0  }
0x1af: {  	[sflag:s0] =	ssyncadd.s32 @!p0 s1  }
0x1b0: {  	[bflag:$0x3] =	sbarrier.arrive $0xFFFF  }
0x1b1: {  	_ =	shalt  }

</sc_bundles>
